<compile_context>
chip_gen: v7x
topology: tpu7x:2x2x1
jax: 0.10.2.dev20260603
libtpu: 0.0.44.dev20260713+nightly
codegen_flags: <defaults>
</compile_context>

<pallas_src>
import functools

import jax
import jax.numpy as jnp
from jax import lax
from jax.experimental import pallas as pl
from jax.experimental.pallas import tpu as pltpu
from jax.experimental.pallas import tpu_sc as plsc

N_NODES = 10000
N_EDGES = 320000
D = 128
NG = 128
NL = 3

NC = 2
NS = 16
NW = NC * NS

CHUNK = 128
NCHUNKS = N_EDGES // CHUNK
EDGE_ITERS = -(-NCHUNKS // NW)

ZROWS = 80
NZ = N_NODES // ZROWS
ZITERS = -(-NZ // NS)

ROWS_PER_TILE = 624


def _agg_body(h_hbm, src_hbm, dst_hbm, out_hbm, src_v, dst_v, rows_v, agg_sh, sem):
    c = lax.axis_index("c")
    s = lax.axis_index("s")
    wid = s * NC + c

    def zero_buf(i, carry):
        for j in range(D // 16):
            rows_v[i, pl.ds(j * 16, 16)] = jnp.zeros((16,), jnp.float32)
        return carry

    lax.fori_loop(0, CHUNK, zero_buf, 0)

    def zero_spmem(k, carry):
        cid = s + k * NS

        @pl.when(cid < NZ)
        def _():
            pltpu.sync_copy(rows_v.at[pl.ds(0, ZROWS)],
                            agg_sh.at[pl.ds(cid * ZROWS, ZROWS)])

        return carry

    lax.fori_loop(0, ZITERS, zero_spmem, 0)
    plsc.subcore_barrier()

    def edge_step(k, carry):
        cid = wid + k * NW

        @pl.when(cid < NCHUNKS)
        def _():
            base = cid * CHUNK
            pltpu.sync_copy(src_hbm.at[pl.ds(base, CHUNK)], src_v)
            pltpu.sync_copy(dst_hbm.at[pl.ds(base, CHUNK)], dst_v)
            pltpu.async_copy(h_hbm.at[src_v], rows_v, sem).wait()
            pltpu.sync_copy(rows_v, agg_sh.at[dst_v], add=True)

        return carry

    lax.fori_loop(0, EDGE_ITERS, edge_step, 0)
    plsc.subcore_barrier()

    r0 = s * ROWS_PER_TILE
    pltpu.sync_copy(agg_sh.at[pl.ds(r0, ROWS_PER_TILE)],
                    out_hbm.at[c, pl.ds(r0, ROWS_PER_TILE)])

    tail = NS * ROWS_PER_TILE

    @pl.when(s == NS - 1)
    def _():
        pltpu.sync_copy(agg_sh.at[pl.ds(tail, N_NODES - tail)],
                        out_hbm.at[c, pl.ds(tail, N_NODES - tail)])


_agg_call_cache = []


def _agg_call(h, src, dst):
    if not _agg_call_cache:
        _agg_call_cache.append(functools.partial(
            pl.kernel,
            out_type=jax.ShapeDtypeStruct((NC, N_NODES, D), jnp.float32),
            mesh=plsc.VectorSubcoreMesh(core_axis_name="c",
                                        subcore_axis_name="s"),
            scratch_types=[
                pltpu.VMEM((CHUNK,), jnp.int32),
                pltpu.VMEM((CHUNK,), jnp.int32),
                pltpu.VMEM((CHUNK, D), jnp.float32),
                pltpu.VMEM_SHARED((N_NODES, D), jnp.float32),
                pltpu.SemaphoreType.DMA,
            ],
        )(_agg_body))
    return _agg_call_cache[0](h, src, dst)


BLK = 1000
NBLK = N_NODES // BLK


def _mlp_body(eps_ref, h_ref, p_ref, w1_ref, b1_ref, w2_ref, b2_ref, g_ref,
              hn_ref, pool_ref):
    i = pl.program_id(0)
    h = h_ref[...]
    agg = p_ref[0, :, :] + p_ref[1, :, :]
    z = (1.0 + eps_ref[0, 0]) * h + agg
    z = jnp.maximum(
        jnp.dot(z, w1_ref[...], preferred_element_type=jnp.float32)
        + b1_ref[...], 0.0)
    hn = jnp.maximum(
        jnp.dot(z, w2_ref[...], preferred_element_type=jnp.float32)
        + b2_ref[...], 0.0)
    hn_ref[...] = hn

    cols = lax.broadcasted_iota(jnp.int32, (BLK, NG), 1)
    onehot = jnp.where(g_ref[...] == cols, 1.0, 0.0)
    contrib = lax.dot_general(onehot, hn, (((0,), (0,)), ((), ())),
                              preferred_element_type=jnp.float32)

    @pl.when(i == 0)
    def _():
        pool_ref[...] = jnp.zeros_like(pool_ref)

    pool_ref[...] += contrib


def _make_mlp_call(interpret=False):
    return pl.pallas_call(
        _mlp_body,
        grid=(NBLK,),
        in_specs=[
            pl.BlockSpec(memory_space=pltpu.SMEM),
            pl.BlockSpec((BLK, D), lambda i: (i, 0)),
            pl.BlockSpec((NC, BLK, D), lambda i: (0, i, 0)),
            pl.BlockSpec((D, D), lambda i: (0, 0)),
            pl.BlockSpec((1, D), lambda i: (0, 0)),
            pl.BlockSpec((D, D), lambda i: (0, 0)),
            pl.BlockSpec((1, D), lambda i: (0, 0)),
            pl.BlockSpec((BLK, 1), lambda i: (i, 0)),
        ],
        out_specs=[
            pl.BlockSpec((BLK, D), lambda i: (i, 0)),
            pl.BlockSpec((NG, D), lambda i: (0, 0)),
        ],
        out_shape=[
            jax.ShapeDtypeStruct((N_NODES, D), jnp.float32),
            jax.ShapeDtypeStruct((NG, D), jnp.float32),
        ],
        compiler_params=pltpu.CompilerParams(
            dimension_semantics=("arbitrary",)),
        interpret=interpret,
    )


_mlp_call = _make_mlp_call()


def _head_body(p0_ref, p1_ref, p2_ref, P1_ref, pb1_ref, P2_ref, pb2_ref, o_ref):
    a = (jnp.dot(p0_ref[...], P1_ref[0:D, :], preferred_element_type=jnp.float32)
         + jnp.dot(p1_ref[...], P1_ref[D:2 * D, :], preferred_element_type=jnp.float32)
         + jnp.dot(p2_ref[...], P1_ref[2 * D:3 * D, :], preferred_element_type=jnp.float32))
    a = jnp.maximum(a + pb1_ref[...], 0.0)
    o_ref[...] = (jnp.dot(a, P2_ref[...], preferred_element_type=jnp.float32)
                  + pb2_ref[...])


def _make_head_call(interpret=False):
    return pl.pallas_call(
        _head_body,
        out_shape=jax.ShapeDtypeStruct((NG, D), jnp.float32),
        interpret=interpret,
    )


_head_call = _make_head_call()


def kernel(x, edge_index, graph_ids, W1, b1, W2, b2, eps, P1, pb1, P2, pb2):
    src = edge_index[0]
    dst = edge_index[1]
    g2 = graph_ids.reshape(N_NODES, 1)
    h = x
    pooled = []
    for l in range(NL):
        parts = _agg_call(h, src, dst)
        h, pool_l = _mlp_call(eps[l].reshape(1, 1), h, parts,
                              W1[l], b1[l].reshape(1, D),
                              W2[l], b2[l].reshape(1, D), g2)
        pooled.append(pool_l)
    return _head_call(pooled[0], pooled[1], pooled[2],
                      P1, pb1.reshape(1, D), P2, pb2.reshape(1, D))

# --- scband reference (transcript-rebuilt; emitter-appended) ---
"""Pipeline reference for scband-model-82411832476193 (READ-ONLY COPY).

The authoritative reference and input builder live on the scoring server;
editing this copy changes nothing except your own understanding.
"""

import jax, jax.numpy as jnp
import numpy as np

N_NODES = 10000
N_EDGES = 320000
D_FEAT = 128
HID = 128
N_LAYERS = 3
N_GRAPHS = 128


def setup_inputs(seed: int = 0) -> dict:
    key = jax.random.key(seed)
    ks = jax.random.split(key, 16)
    inp = {}
    inp["x"] = jax.random.normal(ks[0], (N_NODES, D_FEAT), dtype=jnp.float32)
    inp["edge_index"] = jax.random.randint(ks[1], (2, N_EDGES), 0, N_NODES, dtype=jnp.int32)
    inp["graph_ids"] = jnp.sort(jax.random.randint(ks[2], (N_NODES,), 0, N_GRAPHS, dtype=jnp.int32))
    # GIN MLP params (stacked per layer; D_FEAT == HID so shapes are uniform)
    s1 = 1.0 / np.sqrt(D_FEAT)
    s2 = 1.0 / np.sqrt(HID)
    inp["W1"] = jax.random.normal(ks[3], (N_LAYERS, D_FEAT, HID), dtype=jnp.float32) * s1
    inp["b1"] = jnp.zeros((N_LAYERS, HID), dtype=jnp.float32)
    inp["W2"] = jax.random.normal(ks[4], (N_LAYERS, HID, HID), dtype=jnp.float32) * s2
    inp["b2"] = jnp.zeros((N_LAYERS, HID), dtype=jnp.float32)
    inp["eps"] = jnp.zeros((N_LAYERS,), dtype=jnp.float32)
    # proj_head: Linear(L*HID -> HID), ReLU, Linear(HID -> HID)
    sp = 1.0 / np.sqrt(N_LAYERS * HID)
    inp["P1"] = jax.random.normal(ks[5], (N_LAYERS * HID, HID), dtype=jnp.float32) * sp
    inp["pb1"] = jnp.zeros((HID,), dtype=jnp.float32)
    inp["P2"] = jax.random.normal(ks[6], (HID, HID), dtype=jnp.float32) * s2
    inp["pb2"] = jnp.zeros((HID,), dtype=jnp.float32)
    return inp


def reference(x, edge_index, graph_ids, W1, b1, W2, b2, eps, P1, pb1, P2, pb2):
    # GraphCNN (GIN) forward: per layer h = MLP((1+eps)*h + sum_{j in N(i)} h_j),
    # then graph-level sum pooling per layer; concat pooled layers 1..L (input layer
    # pooled_h_layers[0] is excluded, matching torch.cat(output_embeds[1:], -1)),
    # then proj_head = Linear -> ReLU -> Linear.
    src = edge_index[0]
    dst = edge_index[1]
    h = x
    pooled = []
    for l in range(N_LAYERS):
        msgs = jnp.take(h, src, axis=0)                      # gather (SparseCore)
        agg = jnp.zeros((N_NODES, h.shape[1]), dtype=h.dtype).at[dst].add(msgs)  # scatter-add
        z = (1.0 + eps[l]) * h + agg
        z = jax.nn.relu(jnp.dot(z, W1[l]) + b1[l])
        h = jax.nn.relu(jnp.dot(z, W2[l]) + b2[l])
        pooled.append(jax.ops.segment_sum(h, graph_ids, num_segments=N_GRAPHS))
    pooled_h = jnp.concatenate(pooled, axis=-1)              # [N_GRAPHS, L*HID]
    out = jax.nn.relu(jnp.dot(pooled_h, P1) + pb1)
    out = jnp.dot(out, P2) + pb2
    return out

if __name__ == "__main__":
    import jax
    _d = setup_inputs()
    print(jax.jit(kernel)(*tuple(_d.values())))

</pallas_src>

<mosaic_0001>
#map = affine_map<(d0, d1) -> (0, 0)>
#map1 = affine_map<(d0, d1) -> (0)>
#map2 = affine_map<(d0, d1) -> (0, 0, 0)>
module attributes {stable_mosaic.version = 14 : i64} {
  func.func @_agg_body(%arg0: i32, %arg1: i32, %arg2: memref<10000x128xf32, #tpu.memory_space<hbm>>, %arg3: memref<320000xi32, #tpu.memory_space<hbm>>, %arg4: memref<320000xi32, #tpu.memory_space<hbm>>, %arg5: memref<2x10000x128xf32, #tpu.memory_space<hbm>>, %arg6: memref<128xi32, #tpu.memory_space<vmem>>, %arg7: memref<128xi32, #tpu.memory_space<vmem>>, %arg8: memref<128x128xf32, #tpu.memory_space<vmem>>, %arg9: memref<10000x128xf32, #tpu.memory_space<vmem_shared>>, %arg10: memref<!tpu.dma_semaphore, #tpu.memory_space<semaphore_mem>>) attributes {dimension_semantics = [#tpu.dimension_semantics<core_parallel>, #tpu.dimension_semantics<subcore_parallel>], iteration_bounds = array<i64: 2, 16>, scalar_prefetch = 0 : i64, scratch_operands = 5 : i64, tpu.core_type = #tpu.core_type<sc_vector_subcore>, window_params = [{transform_indices = #map}, {transform_indices = #map1}, {transform_indices = #map1}, {transform_indices = #map2}]} {
    %mul3A = arith.constant 2 : i32
    %mul3A_0 = arith.muli %arg1, %mul3A : i32
    %add3A = arith.addi %mul3A_0, %arg0 : i32
    %scan3A = arith.constant 0 : i32
    %scan3A_1 = arith.constant 0 : i32
    %scan3A_2 = arith.constant 128 : i32
    %scan3A_3 = arith.addi %scan3A_1, %scan3A_2 : i32
    %scan3A_4 = arith.constant 1 : i32
    scf.for %scan3A_23 = %scan3A_1 to %scan3A_3 step %scan3A_4  : i32 {
      %broadcast_in_dim3A = arith.constant 0.000000e+00 : f32
      %broadcast_in_dim3A_24 = vector.broadcast %broadcast_in_dim3A : f32 to vector<16xf32>
      %swap3A = arith.index_cast %scan3A_23 : i32 to index
      %swap3A_25 = arith.constant 0 : index
      %swap3A_26 = tpu.vector_load %arg8[%swap3A, %swap3A_25] {strides = array<i32>} : memref<128x128xf32, #tpu.memory_space<vmem>>, vector<1x16xf32>,
      %swap3A_27 = vector.shape_cast %swap3A_26 : vector<1x16xf32> to vector<16xf32>
      %swap3A_28 = vector.shape_cast %broadcast_in_dim3A_24 : vector<16xf32> to vector<1x16xf32>
      tpu.vector_store %arg8[%swap3A, %swap3A_25], %swap3A_28 {strides = array<i32>} : memref<128x128xf32, #tpu.memory_space<vmem>>, vector<1x16xf32>,
      %broadcast_in_dim3A_29 = arith.constant 0.000000e+00 : f32
      %broadcast_in_dim3A_30 = vector.broadcast %broadcast_in_dim3A_29 : f32 to vector<16xf32>
      %swap3A_31 = arith.index_cast %scan3A_23 : i32 to index
      %swap3A_32 = arith.constant 16 : index
      %swap3A_33 = tpu.vector_load %arg8[%swap3A_31, %swap3A_32] {strides = array<i32>} : memref<128x128xf32, #tpu.memory_space<vmem>>, vector<1x16xf32>,
      %swap3A_34 = vector.shape_cast %swap3A_33 : vector<1x16xf32> to vector<16xf32>
      %swap3A_35 = vector.shape_cast %broadcast_in_dim3A_30 : vector<16xf32> to vector<1x16xf32>
      tpu.vector_store %arg8[%swap3A_31, %swap3A_32], %swap3A_35 {strides = array<i32>} : memref<128x128xf32, #tpu.memory_space<vmem>>, vector<1x16xf32>,
      %broadcast_in_dim3A_36 = arith.constant 0.000000e+00 : f32
      %broadcast_in_dim3A_37 = vector.broadcast %broadcast_in_dim3A_36 : f32 to vector<16xf32>
      %swap3A_38 = arith.index_cast %scan3A_23 : i32 to index
      %swap3A_39 = arith.constant 32 : index
      %swap3A_40 = tpu.vector_load %arg8[%swap3A_38, %swap3A_39] {strides = array<i32>} : memref<128x128xf32, #tpu.memory_space<vmem>>, vector<1x16xf32>,
      %swap3A_41 = vector.shape_cast %swap3A_40 : vector<1x16xf32> to vector<16xf32>
      %swap3A_42 = vector.shape_cast %broadcast_in_dim3A_37 : vector<16xf32> to vector<1x16xf32>
      tpu.vector_store %arg8[%swap3A_38, %swap3A_39], %swap3A_42 {strides = array<i32>} : memref<128x128xf32, #tpu.memory_space<vmem>>, vector<1x16xf32>,
      %broadcast_in_dim3A_43 = arith.constant 0.000000e+00 : f32
      %broadcast_in_dim3A_44 = vector.broadcast %broadcast_in_dim3A_43 : f32 to vector<16xf32>
      %swap3A_45 = arith.index_cast %scan3A_23 : i32 to index
      %swap3A_46 = arith.constant 48 : index
      %swap3A_47 = tpu.vector_load %arg8[%swap3A_45, %swap3A_46] {strides = array<i32>} : memref<128x128xf32, #tpu.memory_space<vmem>>, vector<1x16xf32>,
      %swap3A_48 = vector.shape_cast %swap3A_47 : vector<1x16xf32> to vector<16xf32>
      %swap3A_49 = vector.shape_cast %broadcast_in_dim3A_44 : vector<16xf32> to vector<1x16xf32>
      tpu.vector_store %arg8[%swap3A_45, %swap3A_46], %swap3A_49 {strides = array<i32>} : memref<128x128xf32, #tpu.memory_space<vmem>>, vector<1x16xf32>,
      %broadcast_in_dim3A_50 = arith.constant 0.000000e+00 : f32
      %broadcast_in_dim3A_51 = vector.broadcast %broadcast_in_dim3A_50 : f32 to vector<16xf32>
      %swap3A_52 = arith.index_cast %scan3A_23 : i32 to index
      %swap3A_53 = arith.constant 64 : index
      %swap3A_54 = tpu.vector_load %arg8[%swap3A_52, %swap3A_53] {strides = array<i32>} : memref<128x128xf32, #tpu.memory_space<vmem>>, vector<1x16xf32>,
      %swap3A_55 = vector.shape_cast %swap3A_54 : vector<1x16xf32> to vector<16xf32>
      %swap3A_56 = vector.shape_cast %broadcast_in_dim3A_51 : vector<16xf32> to vector<1x16xf32>
      tpu.vector_store %arg8[%swap3A_52, %swap3A_53], %swap3A_56 {strides = array<i32>} : memref<128x128xf32, #tpu.memory_space<vmem>>, vector<1x16xf32>,
      %broadcast_in_dim3A_57 = arith.constant 0.000000e+00 : f32
      %broadcast_in_dim3A_58 = vector.broadcast %broadcast_in_dim3A_57 : f32 to vector<16xf32>
      %swap3A_59 = arith.index_cast %scan3A_23 : i32 to index
      %swap3A_60 = arith.constant 80 : index
      %swap3A_61 = tpu.vector_load %arg8[%swap3A_59, %swap3A_60] {strides = array<i32>} : memref<128x128xf32, #tpu.memory_space<vmem>>, vector<1x16xf32>,
      %swap3A_62 = vector.shape_cast %swap3A_61 : vector<1x16xf32> to vector<16xf32>
      %swap3A_63 = vector.shape_cast %broadcast_in_dim3A_58 : vector<16xf32> to vector<1x16xf32>
      tpu.vector_store %arg8[%swap3A_59, %swap3A_60], %swap3A_63 {strides = array<i32>} : memref<128x128xf32, #tpu.memory_space<vmem>>, vector<1x16xf32>,
      %broadcast_in_dim3A_64 = arith.constant 0.000000e+00 : f32
      %broadcast_in_dim3A_65 = vector.broadcast %broadcast_in_dim3A_64 : f32 to vector<16xf32>
      %swap3A_66 = arith.index_cast %scan3A_23 : i32 to index
      %swap3A_67 = arith.constant 96 : index
      %swap3A_68 = tpu.vector_load %arg8[%swap3A_66, %swap3A_67] {strides = array<i32>} : memref<128x128xf32, #tpu.memory_space<vmem>>, vector<1x16xf32>,
      %swap3A_69 = vector.shape_cast %swap3A_68 : vector<1x16xf32> to vector<16xf32>
      %swap3A_70 = vector.shape_cast %broadcast_in_dim3A_65 : vector<16xf32> to vector<1x16xf32>
      tpu.vector_store %arg8[%swap3A_66, %swap3A_67], %swap3A_70 {strides = array<i32>} : memref<128x128xf32, #tpu.memory_space<vmem>>, vector<1x16xf32>,
      %broadcast_in_dim3A_71 = arith.constant 0.000000e+00 : f32
      %broadcast_in_dim3A_72 = vector.broadcast %broadcast_in_dim3A_71 : f32 to vector<16xf32>
      %swap3A_73 = arith.index_cast %scan3A_23 : i32 to index
      %swap3A_74 = arith.constant 112 : index
      %swap3A_75 = tpu.vector_load %arg8[%swap3A_73, %swap3A_74] {strides = array<i32>} : memref<128x128xf32, #tpu.memory_space<vmem>>, vector<1x16xf32>,
      %swap3A_76 = vector.shape_cast %swap3A_75 : vector<1x16xf32> to vector<16xf32>
      %swap3A_77 = vector.shape_cast %broadcast_in_dim3A_72 : vector<16xf32> to vector<1x16xf32>
      tpu.vector_store %arg8[%swap3A_73, %swap3A_74], %swap3A_77 {strides = array<i32>} : memref<128x128xf32, #tpu.memory_space<vmem>>, vector<1x16xf32>,
    }
    %scan3A_5 = arith.constant 128 : i32
    %scan3A_6 = arith.constant 0 : i32
    %scan3A_7 = arith.constant 0 : i32
    %scan3A_8 = arith.constant 8 : i32
    %scan3A_9 = arith.addi %scan3A_7, %scan3A_8 : i32
    %scan3A_10 = arith.constant 1 : i32
    scf.for %scan3A_23 = %scan3A_7 to %scan3A_9 step %scan3A_10  : i32 {
      %mul3A_24 = arith.constant 16 : i32
      %mul3A_25 = arith.muli %scan3A_23, %mul3A_24 : i32
      %add3A_26 = arith.addi %arg1, %mul3A_25 : i32
      %lt3A = arith.constant 125 : i32
      %lt3A_27 = arith.cmpi slt, %add3A_26, %lt3A : i32
      %convert_element_type3A_28 = arith.extui %lt3A_27 : i1 to i32
      %cond3A_29 = arith.constant 0 : i32
      %cond3A_30 = arith.cmpi ne, %convert_element_type3A_28, %cond3A_29 : i32
      scf.if %cond3A_30 {
        %mul3A_31 = arith.constant 80 : i32
        %mul3A_32 = arith.muli %add3A_26, %mul3A_31 : i32
        "tpu.region"() ({
          %run_scoped3A = tpu.sem_alloc : memref<!tpu.dma_semaphore, #tpu.memory_space<semaphore_mem>>
          %dma_start3A = arith.constant 0 : i32
          %dma_start3A_33 = arith.constant 0 : i32
          %dma_start3A_34 = tpu.memref_slice %arg8[%dma_start3A, %dma_start3A_33] : memref<128x128xf32, #tpu.memory_space<vmem>> -> memref<80x128xf32, #tpu.memory_space<vmem>>
          %dma_start3A_35 = arith.constant 0 : i32
          %dma_start3A_36 = tpu.memref_slice %arg9[%mul3A_32, %dma_start3A_35] : memref<10000x128xf32, #tpu.memory_space<vmem_shared>> -> memref<80x128xf32, #tpu.memory_space<vmem_shared>>
          %dma_start3A_37 = arith.constant 0 : i32
          %dma_start3A_38 = tpu.memref_slice %arg9[%mul3A_32, %dma_start3A_37] : memref<10000x128xf32, #tpu.memory_space<vmem_shared>> -> memref<80x128xf32, #tpu.memory_space<vmem_shared>>
          %dma_start3A_39 = arith.constant 0 : i32
          %dma_start3A_40 = arith.constant 0 : i32
          %dma_start3A_41 = tpu.memref_slice %arg8[%dma_start3A_39, %dma_start3A_40] : memref<128x128xf32, #tpu.memory_space<vmem>> -> memref<80x128xf32, #tpu.memory_space<vmem>>
          tpu.enqueue_dma source(%dma_start3A_41 : memref<80x128xf32, #tpu.memory_space<vmem>>) target(%dma_start3A_38 : memref<80x128xf32, #tpu.memory_space<vmem_shared>>) target_semaphore(%run_scoped3A : memref<!tpu.dma_semaphore, #tpu.memory_space<semaphore_mem>>)
          %dma_wait3A = arith.constant 0 : i32
          %dma_wait3A_42 = arith.constant 0 : i32
          %dma_wait3A_43 = tpu.memref_slice %arg8[%dma_wait3A, %dma_wait3A_42] : memref<128x128xf32, #tpu.memory_space<vmem>> -> memref<80x128xf32, #tpu.memory_space<vmem>>
          %dma_wait3A_44 = arith.constant 0 : i32
          %dma_wait3A_45 = tpu.memref_slice %arg9[%mul3A_32, %dma_wait3A_44] : memref<10000x128xf32, #tpu.memory_space<vmem_shared>> -> memref<80x128xf32, #tpu.memory_space<vmem_shared>>
          %dma_wait3A_46 = arith.constant 0 : i32
          %dma_wait3A_47 = tpu.memref_slice %arg9[%mul3A_32, %dma_wait3A_46] : memref<10000x128xf32, #tpu.memory_space<vmem_shared>> -> memref<80x128xf32, #tpu.memory_space<vmem_shared>>
          %dma_wait3A_48 = arith.constant 0 : i32
          %dma_wait3A_49 = arith.constant 0 : i32
          %dma_wait3A_50 = tpu.memref_slice %arg8[%dma_wait3A_48, %dma_wait3A_49] : memref<128x128xf32, #tpu.memory_space<vmem>> -> memref<80x128xf32, #tpu.memory_space<vmem>>
          tpu.wait_dma2 semaphore(%run_scoped3A : memref<!tpu.dma_semaphore, #tpu.memory_space<semaphore_mem>>) src(%dma_wait3A_50 : memref<80x128xf32, #tpu.memory_space<vmem>>) dst(%dma_wait3A_47 : memref<80x128xf32, #tpu.memory_space<vmem_shared>>)
          tpu.yield
        }) : () -> ()
      } else {
      }
    }
    %scan3A_11 = arith.constant 8 : i32
    %barrier3A = arith.constant 0 : index
    tpu.barrier barrier_id(%barrier3A)
    %scan3A_12 = arith.constant 0 : i32
    %scan3A_13 = arith.constant 0 : i32
    %scan3A_14 = arith.constant 79 : i32
    %scan3A_15 = arith.addi %scan3A_13, %scan3A_14 : i32
    %scan3A_16 = arith.constant 1 : i32
    scf.for %scan3A_23 = %scan3A_13 to %scan3A_15 step %scan3A_16  : i32 {
      %mul3A_24 = arith.constant 32 : i32
      %mul3A_25 = arith.muli %scan3A_23, %mul3A_24 : i32
      %add3A_26 = arith.addi %add3A, %mul3A_25 : i32
      %lt3A = arith.constant 2500 : i32
      %lt3A_27 = arith.cmpi slt, %add3A_26, %lt3A : i32
      %convert_element_type3A_28 = arith.extui %lt3A_27 : i1 to i32
      %cond3A_29 = arith.constant 0 : i32
      %cond3A_30 = arith.cmpi ne, %convert_element_type3A_28, %cond3A_29 : i32
      scf.if %cond3A_30 {
        %mul3A_31 = arith.constant 128 : i32
        %mul3A_32 = arith.muli %add3A_26, %mul3A_31 : i32
        "tpu.region"() ({
          %run_scoped3A = tpu.sem_alloc : memref<!tpu.dma_semaphore, #tpu.memory_space<semaphore_mem>>
          %dma_start3A_37 = tpu.memref_slice %arg3[%mul3A_32] : memref<320000xi32, #tpu.memory_space<hbm>> -> memref<128xi32, #tpu.memory_space<hbm>>
          %dma_start3A_38 = tpu.memref_slice %arg3[%mul3A_32] : memref<320000xi32, #tpu.memory_space<hbm>> -> memref<128xi32, #tpu.memory_space<hbm>>
          tpu.enqueue_dma source(%dma_start3A_38 : memref<128xi32, #tpu.memory_space<hbm>>) target(%arg6 : memref<128xi32, #tpu.memory_space<vmem>>) target_semaphore(%run_scoped3A : memref<!tpu.dma_semaphore, #tpu.memory_space<semaphore_mem>>)
          %dma_wait3A_39 = tpu.memref_slice %arg3[%mul3A_32] : memref<320000xi32, #tpu.memory_space<hbm>> -> memref<128xi32, #tpu.memory_space<hbm>>
          %dma_wait3A_40 = tpu.memref_slice %arg3[%mul3A_32] : memref<320000xi32, #tpu.memory_space<hbm>> -> memref<128xi32, #tpu.memory_space<hbm>>
          tpu.wait_dma2 semaphore(%run_scoped3A : memref<!tpu.dma_semaphore, #tpu.memory_space<semaphore_mem>>) src(%dma_wait3A_40 : memref<128xi32, #tpu.memory_space<hbm>>) dst(%arg6 : memref<128xi32, #tpu.memory_space<vmem>>)
          tpu.yield
        }) : () -> ()
        "tpu.region"() ({
          %run_scoped3A = tpu.sem_alloc : memref<!tpu.dma_semaphore, #tpu.memory_space<semaphore_mem>>
          %dma_start3A_37 = tpu.memref_slice %arg4[%mul3A_32] : memref<320000xi32, #tpu.memory_space<hbm>> -> memref<128xi32, #tpu.memory_space<hbm>>
          %dma_start3A_38 = tpu.memref_slice %arg4[%mul3A_32] : memref<320000xi32, #tpu.memory_space<hbm>> -> memref<128xi32, #tpu.memory_space<hbm>>
          tpu.enqueue_dma source(%dma_start3A_38 : memref<128xi32, #tpu.memory_space<hbm>>) target(%arg7 : memref<128xi32, #tpu.memory_space<vmem>>) target_semaphore(%run_scoped3A : memref<!tpu.dma_semaphore, #tpu.memory_space<semaphore_mem>>)
          %dma_wait3A_39 = tpu.memref_slice %arg4[%mul3A_32] : memref<320000xi32, #tpu.memory_space<hbm>> -> memref<128xi32, #tpu.memory_space<hbm>>
          %dma_wait3A_40 = tpu.memref_slice %arg4[%mul3A_32] : memref<320000xi32, #tpu.memory_space<hbm>> -> memref<128xi32, #tpu.memory_space<hbm>>
          tpu.wait_dma2 semaphore(%run_scoped3A : memref<!tpu.dma_semaphore, #tpu.memory_space<semaphore_mem>>) src(%dma_wait3A_40 : memref<128xi32, #tpu.memory_space<hbm>>) dst(%arg7 : memref<128xi32, #tpu.memory_space<vmem>>)
          tpu.yield
        }) : () -> ()
        %dma_start3A = arith.constant 0 : i32
        %dma_start3A_33 = arith.constant 0 : i32
        %dma_start3A_34 = tpu.memref_slice %arg2[%dma_start3A, %dma_start3A_33] : memref<10000x128xf32, #tpu.memory_space<hbm>> -> memref<10000x128xf32, #tpu.memory_space<hbm>>
        tpu.enqueue_indirect_dma source(%dma_start3A_34 : memref<10000x128xf32, #tpu.memory_space<hbm>>) target(%arg8 : memref<128x128xf32, #tpu.memory_space<vmem>>) offsets(%arg6 : memref<128xi32, #tpu.memory_space<vmem>>) semaphore(%arg10 : memref<!tpu.dma_semaphore, #tpu.memory_space<semaphore_mem>>)
        %dma_wait3A = arith.constant 0 : i32
        %dma_wait3A_35 = arith.constant 0 : i32
        %dma_wait3A_36 = tpu.memref_slice %arg2[%dma_wait3A, %dma_wait3A_35] : memref<10000x128xf32, #tpu.memory_space<hbm>> -> memref<10000x128xf32, #tpu.memory_space<hbm>>
        tpu.wait_indirect_dma semaphore(%arg10 : memref<!tpu.dma_semaphore, #tpu.memory_space<semaphore_mem>>) src(%dma_wait3A_36 : memref<10000x128xf32, #tpu.memory_space<hbm>>) dst(%arg8 : memref<128x128xf32, #tpu.memory_space<vmem>>)
        "tpu.region"() ({
          %run_scoped3A = tpu.sem_alloc : memref<!tpu.dma_semaphore, #tpu.memory_space<semaphore_mem>>
          %dma_start3A_37 = arith.constant 0 : i32
          %dma_start3A_38 = arith.constant 0 : i32
          %dma_start3A_39 = tpu.memref_slice %arg9[%dma_start3A_37, %dma_start3A_38] : memref<10000x128xf32, #tpu.memory_space<vmem_shared>> -> memref<10000x128xf32, #tpu.memory_space<vmem_shared>>
          tpu.enqueue_indirect_dma source(%arg8 : memref<128x128xf32, #tpu.memory_space<vmem>>) target(%dma_start3A_39 : memref<10000x128xf32, #tpu.memory_space<vmem_shared>>) offsets(%arg7 : memref<128xi32, #tpu.memory_space<vmem>>) semaphore(%run_scoped3A : memref<!tpu.dma_semaphore, #tpu.memory_space<semaphore_mem>>) {add = true}
          %dma_wait3A_40 = arith.constant 0 : i32
          %dma_wait3A_41 = arith.constant 0 : i32
          %dma_wait3A_42 = tpu.memref_slice %arg9[%dma_wait3A_40, %dma_wait3A_41] : memref<10000x128xf32, #tpu.memory_space<vmem_shared>> -> memref<10000x128xf32, #tpu.memory_space<vmem_shared>>
          tpu.wait_indirect_dma semaphore(%run_scoped3A : memref<!tpu.dma_semaphore, #tpu.memory_space<semaphore_mem>>) src(%arg8 : memref<128x128xf32, #tpu.memory_space<vmem>>) dst(%dma_wait3A_42 : memref<10000x128xf32, #tpu.memory_space<vmem_shared>>)
          tpu.yield
        }) : () -> ()
      } else {
      }
    }
    %scan3A_17 = arith.constant 79 : i32
    %barrier3A_18 = arith.constant 0 : index
    tpu.barrier barrier_id(%barrier3A_18)
    %mul3A_19 = arith.constant 624 : i32
    %mul3A_20 = arith.muli %arg1, %mul3A_19 : i32
    "tpu.region"() ({
      %run_scoped3A = tpu.sem_alloc : memref<!tpu.dma_semaphore, #tpu.memory_space<semaphore_mem>>
      %dma_start3A = arith.constant 0 : i32
      %dma_start3A_23 = tpu.memref_slice %arg5[%arg0, %mul3A_20, %dma_start3A] : memref<2x10000x128xf32, #tpu.memory_space<hbm>> -> memref<1x624x128xf32, #tpu.memory_space<hbm>>
      %dma_start3A_24 = tpu.memref_squeeze %dma_start3A_23 : memref<1x624x128xf32, #tpu.memory_space<hbm>> -> memref<624x128xf32, #tpu.memory_space<hbm>>
      %dma_start3A_25 = arith.constant 0 : i32
      %dma_start3A_26 = tpu.memref_slice %arg9[%mul3A_20, %dma_start3A_25] : memref<10000x128xf32, #tpu.memory_space<vmem_shared>> -> memref<624x128xf32, #tpu.memory_space<vmem_shared>>
      tpu.enqueue_dma source(%dma_start3A_26 : memref<624x128xf32, #tpu.memory_space<vmem_shared>>) target(%dma_start3A_24 : memref<624x128xf32, #tpu.memory_space<hbm>>) target_semaphore(%run_scoped3A : memref<!tpu.dma_semaphore, #tpu.memory_space<semaphore_mem>>)
      %dma_wait3A = arith.constant 0 : i32
      %dma_wait3A_27 = tpu.memref_slice %arg5[%arg0, %mul3A_20, %dma_wait3A] : memref<2x10000x128xf32, #tpu.memory_space<hbm>> -> memref<1x624x128xf32, #tpu.memory_space<hbm>>
      %dma_wait3A_28 = tpu.memref_squeeze %dma_wait3A_27 : memref<1x624x128xf32, #tpu.memory_space<hbm>> -> memref<624x128xf32, #tpu.memory_space<hbm>>
      %dma_wait3A_29 = arith.constant 0 : i32
      %dma_wait3A_30 = tpu.memref_slice %arg9[%mul3A_20, %dma_wait3A_29] : memref<10000x128xf32, #tpu.memory_space<vmem_shared>> -> memref<624x128xf32, #tpu.memory_space<vmem_shared>>
      tpu.wait_dma2 semaphore(%run_scoped3A : memref<!tpu.dma_semaphore, #tpu.memory_space<semaphore_mem>>) src(%dma_wait3A_30 : memref<624x128xf32, #tpu.memory_space<vmem_shared>>) dst(%dma_wait3A_28 : memref<624x128xf32, #tpu.memory_space<hbm>>)
      tpu.yield
    }) : () -> ()
    %eq3A = arith.constant 15 : i32
    %eq3A_21 = arith.cmpi eq, %arg1, %eq3A : i32
    %convert_element_type3A = arith.extui %eq3A_21 : i1 to i32
    %cond3A = arith.constant 0 : i32
    %cond3A_22 = arith.cmpi ne, %convert_element_type3A, %cond3A : i32
    scf.if %cond3A_22 {
      "tpu.region"() ({
        %run_scoped3A = tpu.sem_alloc : memref<!tpu.dma_semaphore, #tpu.memory_space<semaphore_mem>>
        %dma_start3A = arith.constant 9984 : i32
        %dma_start3A_23 = arith.constant 0 : i32
        %dma_start3A_24 = tpu.memref_slice %arg5[%arg0, %dma_start3A, %dma_start3A_23] : memref<2x10000x128xf32, #tpu.memory_space<hbm>> -> memref<1x16x128xf32, #tpu.memory_space<hbm>>
        %dma_start3A_25 = tpu.memref_squeeze %dma_start3A_24 : memref<1x16x128xf32, #tpu.memory_space<hbm>> -> memref<16x128xf32, #tpu.memory_space<hbm>>
        %dma_start3A_26 = arith.constant 9984 : i32
        %dma_start3A_27 = arith.constant 0 : i32
        %dma_start3A_28 = tpu.memref_slice %arg9[%dma_start3A_26, %dma_start3A_27] : memref<10000x128xf32, #tpu.memory_space<vmem_shared>> -> memref<16x128xf32, #tpu.memory_space<vmem_shared>>
        tpu.enqueue_dma source(%dma_start3A_28 : memref<16x128xf32, #tpu.memory_space<vmem_shared>>) target(%dma_start3A_25 : memref<16x128xf32, #tpu.memory_space<hbm>>) target_semaphore(%run_scoped3A : memref<!tpu.dma_semaphore, #tpu.memory_space<semaphore_mem>>)
        %dma_wait3A = arith.constant 9984 : i32
        %dma_wait3A_29 = arith.constant 0 : i32
        %dma_wait3A_30 = tpu.memref_slice %arg5[%arg0, %dma_wait3A, %dma_wait3A_29] : memref<2x10000x128xf32, #tpu.memory_space<hbm>> -> memref<1x16x128xf32, #tpu.memory_space<hbm>>
        %dma_wait3A_31 = tpu.memref_squeeze %dma_wait3A_30 : memref<1x16x128xf32, #tpu.memory_space<hbm>> -> memref<16x128xf32, #tpu.memory_space<hbm>>
        %dma_wait3A_32 = arith.constant 9984 : i32
        %dma_wait3A_33 = arith.constant 0 : i32
        %dma_wait3A_34 = tpu.memref_slice %arg9[%dma_wait3A_32, %dma_wait3A_33] : memref<10000x128xf32, #tpu.memory_space<vmem_shared>> -> memref<16x128xf32, #tpu.memory_space<vmem_shared>>
        tpu.wait_dma2 semaphore(%run_scoped3A : memref<!tpu.dma_semaphore, #tpu.memory_space<semaphore_mem>>) src(%dma_wait3A_34 : memref<16x128xf32, #tpu.memory_space<vmem_shared>>) dst(%dma_wait3A_31 : memref<16x128xf32, #tpu.memory_space<hbm>>)
        tpu.yield
      }) : () -> ()
    } else {
    }
    return
  }
}

#map = affine_map<(d0, d1) -> (0, 0)>
#map1 = affine_map<(d0, d1) -> (0)>
#map2 = affine_map<(d0, d1) -> (0, 0, 0)>
module attributes {stable_mosaic.version = 14 : i64} {
  func.func @_agg_body(%arg0: i32, %arg1: i32, %arg2: memref<10000x128xf32, #tpu.memory_space<hbm>>, %arg3: memref<320000xi32, #tpu.memory_space<hbm>>, %arg4: memref<320000xi32, #tpu.memory_space<hbm>>, %arg5: memref<2x10000x128xf32, #tpu.memory_space<hbm>>, %arg6: memref<128xi32, #tpu.memory_space<vmem>>, %arg7: memref<128xi32, #tpu.memory_space<vmem>>, %arg8: memref<128x128xf32, #tpu.memory_space<vmem>>, %arg9: memref<10000x128xf32, #tpu.memory_space<vmem_shared>>, %arg10: memref<!tpu.dma_semaphore, #tpu.memory_space<semaphore_mem>>) attributes {dimension_semantics = [#tpu.dimension_semantics<core_parallel>, #tpu.dimension_semantics<subcore_parallel>], iteration_bounds = array<i64: 2, 16>, scalar_prefetch = 0 : i64, scratch_operands = 5 : i64, tpu.core_type = #tpu.core_type<sc_vector_subcore>, window_params = [{transform_indices = #map}, {transform_indices = #map1}, {transform_indices = #map1}, {transform_indices = #map2}]} {
    %mul3A = arith.constant 2 : i32
    %mul3A_0 = arith.muli %arg1, %mul3A : i32
    %add3A = arith.addi %mul3A_0, %arg0 : i32
    %scan3A = arith.constant 0 : i32
    %scan3A_1 = arith.constant 0 : i32
    %scan3A_2 = arith.constant 128 : i32
    %scan3A_3 = arith.addi %scan3A_1, %scan3A_2 : i32
    %scan3A_4 = arith.constant 1 : i32
    scf.for %scan3A_23 = %scan3A_1 to %scan3A_3 step %scan3A_4  : i32 {
      %broadcast_in_dim3A = arith.constant 0.000000e+00 : f32
      %broadcast_in_dim3A_24 = vector.broadcast %broadcast_in_dim3A : f32 to vector<16xf32>
      %swap3A = arith.index_cast %scan3A_23 : i32 to index
      %swap3A_25 = arith.constant 0 : index
      %swap3A_26 = tpu.vector_load %arg8[%swap3A, %swap3A_25] {strides = array<i32>} : memref<128x128xf32, #tpu.memory_space<vmem>>, vector<1x16xf32>,
      %swap3A_27 = vector.shape_cast %swap3A_26 : vector<1x16xf32> to vector<16xf32>
      %swap3A_28 = vector.shape_cast %broadcast_in_dim3A_24 : vector<16xf32> to vector<1x16xf32>
      tpu.vector_store %arg8[%swap3A, %swap3A_25], %swap3A_28 {strides = array<i32>} : memref<128x128xf32, #tpu.memory_space<vmem>>, vector<1x16xf32>,
      %broadcast_in_dim3A_29 = arith.constant 0.000000e+00 : f32
      %broadcast_in_dim3A_30 = vector.broadcast %broadcast_in_dim3A_29 : f32 to vector<16xf32>
      %swap3A_31 = arith.index_cast %scan3A_23 : i32 to index
      %swap3A_32 = arith.constant 16 : index
      %swap3A_33 = tpu.vector_load %arg8[%swap3A_31, %swap3A_32] {strides = array<i32>} : memref<128x128xf32, #tpu.memory_space<vmem>>, vector<1x16xf32>,
      %swap3A_34 = vector.shape_cast %swap3A_33 : vector<1x16xf32> to vector<16xf32>
      %swap3A_35 = vector.shape_cast %broadcast_in_dim3A_30 : vector<16xf32> to vector<1x16xf32>
      tpu.vector_store %arg8[%swap3A_31, %swap3A_32], %swap3A_35 {strides = array<i32>} : memref<128x128xf32, #tpu.memory_space<vmem>>, vector<1x16xf32>,
      %broadcast_in_dim3A_36 = arith.constant 0.000000e+00 : f32
      %broadcast_in_dim3A_37 = vector.broadcast %broadcast_in_dim3A_36 : f32 to vector<16xf32>
      %swap3A_38 = arith.index_cast %scan3A_23 : i32 to index
      %swap3A_39 = arith.constant 32 : index
      %swap3A_40 = tpu.vector_load %arg8[%swap3A_38, %swap3A_39] {strides = array<i32>} : memref<128x128xf32, #tpu.memory_space<vmem>>, vector<1x16xf32>,
      %swap3A_41 = vector.shape_cast %swap3A_40 : vector<1x16xf32> to vector<16xf32>
      %swap3A_42 = vector.shape_cast %broadcast_in_dim3A_37 : vector<16xf32> to vector<1x16xf32>
      tpu.vector_store %arg8[%swap3A_38, %swap3A_39], %swap3A_42 {strides = array<i32>} : memref<128x128xf32, #tpu.memory_space<vmem>>, vector<1x16xf32>,
      %broadcast_in_dim3A_43 = arith.constant 0.000000e+00 : f32
      %broadcast_in_dim3A_44 = vector.broadcast %broadcast_in_dim3A_43 : f32 to vector<16xf32>
      %swap3A_45 = arith.index_cast %scan3A_23 : i32 to index
      %swap3A_46 = arith.constant 48 : index
      %swap3A_47 = tpu.vector_load %arg8[%swap3A_45, %swap3A_46] {strides = array<i32>} : memref<128x128xf32, #tpu.memory_space<vmem>>, vector<1x16xf32>,
      %swap3A_48 = vector.shape_cast %swap3A_47 : vector<1x16xf32> to vector<16xf32>
      %swap3A_49 = vector.shape_cast %broadcast_in_dim3A_44 : vector<16xf32> to vector<1x16xf32>
      tpu.vector_store %arg8[%swap3A_45, %swap3A_46], %swap3A_49 {strides = array<i32>} : memref<128x128xf32, #tpu.memory_space<vmem>>, vector<1x16xf32>,
      %broadcast_in_dim3A_50 = arith.constant 0.000000e+00 : f32
      %broadcast_in_dim3A_51 = vector.broadcast %broadcast_in_dim3A_50 : f32 to vector<16xf32>
      %swap3A_52 = arith.index_cast %scan3A_23 : i32 to index
      %swap3A_53 = arith.constant 64 : index
      %swap3A_54 = tpu.vector_load %arg8[%swap3A_52, %swap3A_53] {strides = array<i32>} : memref<128x128xf32, #tpu.memory_space<vmem>>, vector<1x16xf32>,
      %swap3A_55 = vector.shape_cast %swap3A_54 : vector<1x16xf32> to vector<16xf32>
      %swap3A_56 = vector.shape_cast %broadcast_in_dim3A_51 : vector<16xf32> to vector<1x16xf32>
      tpu.vector_store %arg8[%swap3A_52, %swap3A_53], %swap3A_56 {strides = array<i32>} : memref<128x128xf32, #tpu.memory_space<vmem>>, vector<1x16xf32>,
      %broadcast_in_dim3A_57 = arith.constant 0.000000e+00 : f32
      %broadcast_in_dim3A_58 = vector.broadcast %broadcast_in_dim3A_57 : f32 to vector<16xf32>
      %swap3A_59 = arith.index_cast %scan3A_23 : i32 to index
      %swap3A_60 = arith.constant 80 : index
      %swap3A_61 = tpu.vector_load %arg8[%swap3A_59, %swap3A_60] {strides = array<i32>} : memref<128x128xf32, #tpu.memory_space<vmem>>, vector<1x16xf32>,
      %swap3A_62 = vector.shape_cast %swap3A_61 : vector<1x16xf32> to vector<16xf32>
      %swap3A_63 = vector.shape_cast %broadcast_in_dim3A_58 : vector<16xf32> to vector<1x16xf32>
      tpu.vector_store %arg8[%swap3A_59, %swap3A_60], %swap3A_63 {strides = array<i32>} : memref<128x128xf32, #tpu.memory_space<vmem>>, vector<1x16xf32>,
      %broadcast_in_dim3A_64 = arith.constant 0.000000e+00 : f32
      %broadcast_in_dim3A_65 = vector.broadcast %broadcast_in_dim3A_64 : f32 to vector<16xf32>
      %swap3A_66 = arith.index_cast %scan3A_23 : i32 to index
      %swap3A_67 = arith.constant 96 : index
      %swap3A_68 = tpu.vector_load %arg8[%swap3A_66, %swap3A_67] {strides = array<i32>} : memref<128x128xf32, #tpu.memory_space<vmem>>, vector<1x16xf32>,
      %swap3A_69 = vector.shape_cast %swap3A_68 : vector<1x16xf32> to vector<16xf32>
      %swap3A_70 = vector.shape_cast %broadcast_in_dim3A_65 : vector<16xf32> to vector<1x16xf32>
      tpu.vector_store %arg8[%swap3A_66, %swap3A_67], %swap3A_70 {strides = array<i32>} : memref<128x128xf32, #tpu.memory_space<vmem>>, vector<1x16xf32>,
      %broadcast_in_dim3A_71 = arith.constant 0.000000e+00 : f32
      %broadcast_in_dim3A_72 = vector.broadcast %broadcast_in_dim3A_71 : f32 to vector<16xf32>
      %swap3A_73 = arith.index_cast %scan3A_23 : i32 to index
      %swap3A_74 = arith.constant 112 : index
      %swap3A_75 = tpu.vector_load %arg8[%swap3A_73, %swap3A_74] {strides = array<i32>} : memref<128x128xf32, #tpu.memory_space<vmem>>, vector<1x16xf32>,
      %swap3A_76 = vector.shape_cast %swap3A_75 : vector<1x16xf32> to vector<16xf32>
      %swap3A_77 = vector.shape_cast %broadcast_in_dim3A_72 : vector<16xf32> to vector<1x16xf32>
      tpu.vector_store %arg8[%swap3A_73, %swap3A_74], %swap3A_77 {strides = array<i32>} : memref<128x128xf32, #tpu.memory_space<vmem>>, vector<1x16xf32>,
    }
    %scan3A_5 = arith.constant 128 : i32
    %scan3A_6 = arith.constant 0 : i32
    %scan3A_7 = arith.constant 0 : i32
    %scan3A_8 = arith.constant 8 : i32
    %scan3A_9 = arith.addi %scan3A_7, %scan3A_8 : i32
    %scan3A_10 = arith.constant 1 : i32
    scf.for %scan3A_23 = %scan3A_7 to %scan3A_9 step %scan3A_10  : i32 {
      %mul3A_24 = arith.constant 16 : i32
      %mul3A_25 = arith.muli %scan3A_23, %mul3A_24 : i32
      %add3A_26 = arith.addi %arg1, %mul3A_25 : i32
      %lt3A = arith.constant 125 : i32
      %lt3A_27 = arith.cmpi slt, %add3A_26, %lt3A : i32
      %convert_element_type3A_28 = arith.extui %lt3A_27 : i1 to i32
      %cond3A_29 = arith.constant 0 : i32
      %cond3A_30 = arith.cmpi ne, %convert_element_type3A_28, %cond3A_29 : i32
      scf.if %cond3A_30 {
        %mul3A_31 = arith.constant 80 : i32
        %mul3A_32 = arith.muli %add3A_26, %mul3A_31 : i32
        "tpu.region"() ({
          %run_scoped3A = tpu.sem_alloc : memref<!tpu.dma_semaphore, #tpu.memory_space<semaphore_mem>>
          %dma_start3A = arith.constant 0 : i32
          %dma_start3A_33 = arith.constant 0 : i32
          %dma_start3A_34 = tpu.memref_slice %arg8[%dma_start3A, %dma_start3A_33] : memref<128x128xf32, #tpu.memory_space<vmem>> -> memref<80x128xf32, #tpu.memory_space<vmem>>
          %dma_start3A_35 = arith.constant 0 : i32
          %dma_start3A_36 = tpu.memref_slice %arg9[%mul3A_32, %dma_start3A_35] : memref<10000x128xf32, #tpu.memory_space<vmem_shared>> -> memref<80x128xf32, #tpu.memory_space<vmem_shared>>
          %dma_start3A_37 = arith.constant 0 : i32
          %dma_start3A_38 = tpu.memref_slice %arg9[%mul3A_32, %dma_start3A_37] : memref<10000x128xf32, #tpu.memory_space<vmem_shared>> -> memref<80x128xf32, #tpu.memory_space<vmem_shared>>
          %dma_start3A_39 = arith.constant 0 : i32
          %dma_start3A_40 = arith.constant 0 : i32
          %dma_start3A_41 = tpu.memref_slice %arg8[%dma_start3A_39, %dma_start3A_40] : memref<128x128xf32, #tpu.memory_space<vmem>> -> memref<80x128xf32, #tpu.memory_space<vmem>>
          tpu.enqueue_dma source(%dma_start3A_41 : memref<80x128xf32, #tpu.memory_space<vmem>>) target(%dma_start3A_38 : memref<80x128xf32, #tpu.memory_space<vmem_shared>>) target_semaphore(%run_scoped3A : memref<!tpu.dma_semaphore, #tpu.memory_space<semaphore_mem>>)
          %dma_wait3A = arith.constant 0 : i32
          %dma_wait3A_42 = arith.constant 0 : i32
          %dma_wait3A_43 = tpu.memref_slice %arg8[%dma_wait3A, %dma_wait3A_42] : memref<128x128xf32, #tpu.memory_space<vmem>> -> memref<80x128xf32, #tpu.memory_space<vmem>>
          %dma_wait3A_44 = arith.constant 0 : i32
          %dma_wait3A_45 = tpu.memref_slice %arg9[%mul3A_32, %dma_wait3A_44] : memref<10000x128xf32, #tpu.memory_space<vmem_shared>> -> memref<80x128xf32, #tpu.memory_space<vmem_shared>>
          %dma_wait3A_46 = arith.constant 0 : i32
          %dma_wait3A_47 = tpu.memref_slice %arg9[%mul3A_32, %dma_wait3A_46] : memref<10000x128xf32, #tpu.memory_space<vmem_shared>> -> memref<80x128xf32, #tpu.memory_space<vmem_shared>>
          %dma_wait3A_48 = arith.constant 0 : i32
          %dma_wait3A_49 = arith.constant 0 : i32
          %dma_wait3A_50 = tpu.memref_slice %arg8[%dma_wait3A_48, %dma_wait3A_49] : memref<128x128xf32, #tpu.memory_space<vmem>> -> memref<80x128xf32, #tpu.memory_space<vmem>>
          tpu.wait_dma2 semaphore(%run_scoped3A : memref<!tpu.dma_semaphore, #tpu.memory_space<semaphore_mem>>) src(%dma_wait3A_50 : memref<80x128xf32, #tpu.memory_space<vmem>>) dst(%dma_wait3A_47 : memref<80x128xf32, #tpu.memory_space<vmem_shared>>)
          tpu.yield
        }) : () -> ()
      } else {
      }
    }
    %scan3A_11 = arith.constant 8 : i32
    %barrier3A = arith.constant 0 : index
    tpu.barrier barrier_id(%barrier3A)
    %scan3A_12 = arith.constant 0 : i32
    %scan3A_13 = arith.constant 0 : i32
    %scan3A_14 = arith.constant 79 : i32
    %scan3A_15 = arith.addi %scan3A_13, %scan3A_14 : i32
    %scan3A_16 = arith.constant 1 : i32
    scf.for %scan3A_23 = %scan3A_13 to %scan3A_15 step %scan3A_16  : i32 {
      %mul3A_24 = arith.constant 32 : i32
      %mul3A_25 = arith.muli %scan3A_23, %mul3A_24 : i32
      %add3A_26 = arith.addi %add3A, %mul3A_25 : i32
      %lt3A = arith.constant 2500 : i32
      %lt3A_27 = arith.cmpi slt, %add3A_26, %lt3A : i32
      %convert_element_type3A_28 = arith.extui %lt3A_27 : i1 to i32
      %cond3A_29 = arith.constant 0 : i32
      %cond3A_30 = arith.cmpi ne, %convert_element_type3A_28, %cond3A_29 : i32
      scf.if %cond3A_30 {
        %mul3A_31 = arith.constant 128 : i32
        %mul3A_32 = arith.muli %add3A_26, %mul3A_31 : i32
        "tpu.region"() ({
          %run_scoped3A = tpu.sem_alloc : memref<!tpu.dma_semaphore, #tpu.memory_space<semaphore_mem>>
          %dma_start3A_37 = tpu.memref_slice %arg3[%mul3A_32] : memref<320000xi32, #tpu.memory_space<hbm>> -> memref<128xi32, #tpu.memory_space<hbm>>
          %dma_start3A_38 = tpu.memref_slice %arg3[%mul3A_32] : memref<320000xi32, #tpu.memory_space<hbm>> -> memref<128xi32, #tpu.memory_space<hbm>>
          tpu.enqueue_dma source(%dma_start3A_38 : memref<128xi32, #tpu.memory_space<hbm>>) target(%arg6 : memref<128xi32, #tpu.memory_space<vmem>>) target_semaphore(%run_scoped3A : memref<!tpu.dma_semaphore, #tpu.memory_space<semaphore_mem>>)
          %dma_wait3A_39 = tpu.memref_slice %arg3[%mul3A_32] : memref<320000xi32, #tpu.memory_space<hbm>> -> memref<128xi32, #tpu.memory_space<hbm>>
          %dma_wait3A_40 = tpu.memref_slice %arg3[%mul3A_32] : memref<320000xi32, #tpu.memory_space<hbm>> -> memref<128xi32, #tpu.memory_space<hbm>>
          tpu.wait_dma2 semaphore(%run_scoped3A : memref<!tpu.dma_semaphore, #tpu.memory_space<semaphore_mem>>) src(%dma_wait3A_40 : memref<128xi32, #tpu.memory_space<hbm>>) dst(%arg6 : memref<128xi32, #tpu.memory_space<vmem>>)
          tpu.yield
        }) : () -> ()
        "tpu.region"() ({
          %run_scoped3A = tpu.sem_alloc : memref<!tpu.dma_semaphore, #tpu.memory_space<semaphore_mem>>
          %dma_start3A_37 = tpu.memref_slice %arg4[%mul3A_32] : memref<320000xi32, #tpu.memory_space<hbm>> -> memref<128xi32, #tpu.memory_space<hbm>>
          %dma_start3A_38 = tpu.memref_slice %arg4[%mul3A_32] : memref<320000xi32, #tpu.memory_space<hbm>> -> memref<128xi32, #tpu.memory_space<hbm>>
          tpu.enqueue_dma source(%dma_start3A_38 : memref<128xi32, #tpu.memory_space<hbm>>) target(%arg7 : memref<128xi32, #tpu.memory_space<vmem>>) target_semaphore(%run_scoped3A : memref<!tpu.dma_semaphore, #tpu.memory_space<semaphore_mem>>)
          %dma_wait3A_39 = tpu.memref_slice %arg4[%mul3A_32] : memref<320000xi32, #tpu.memory_space<hbm>> -> memref<128xi32, #tpu.memory_space<hbm>>
          %dma_wait3A_40 = tpu.memref_slice %arg4[%mul3A_32] : memref<320000xi32, #tpu.memory_space<hbm>> -> memref<128xi32, #tpu.memory_space<hbm>>
          tpu.wait_dma2 semaphore(%run_scoped3A : memref<!tpu.dma_semaphore, #tpu.memory_space<semaphore_mem>>) src(%dma_wait3A_40 : memref<128xi32, #tpu.memory_space<hbm>>) dst(%arg7 : memref<128xi32, #tpu.memory_space<vmem>>)
          tpu.yield
        }) : () -> ()
        %dma_start3A = arith.constant 0 : i32
        %dma_start3A_33 = arith.constant 0 : i32
        %dma_start3A_34 = tpu.memref_slice %arg2[%dma_start3A, %dma_start3A_33] : memref<10000x128xf32, #tpu.memory_space<hbm>> -> memref<10000x128xf32, #tpu.memory_space<hbm>>
        tpu.enqueue_indirect_dma source(%dma_start3A_34 : memref<10000x128xf32, #tpu.memory_space<hbm>>) target(%arg8 : memref<128x128xf32, #tpu.memory_space<vmem>>) offsets(%arg6 : memref<128xi32, #tpu.memory_space<vmem>>) semaphore(%arg10 : memref<!tpu.dma_semaphore, #tpu.memory_space<semaphore_mem>>)
        %dma_wait3A = arith.constant 0 : i32
        %dma_wait3A_35 = arith.constant 0 : i32
        %dma_wait3A_36 = tpu.memref_slice %arg2[%dma_wait3A, %dma_wait3A_35] : memref<10000x128xf32, #tpu.memory_space<hbm>> -> memref<10000x128xf32, #tpu.memory_space<hbm>>
        tpu.wait_indirect_dma semaphore(%arg10 : memref<!tpu.dma_semaphore, #tpu.memory_space<semaphore_mem>>) src(%dma_wait3A_36 : memref<10000x128xf32, #tpu.memory_space<hbm>>) dst(%arg8 : memref<128x128xf32, #tpu.memory_space<vmem>>)
        "tpu.region"() ({
          %run_scoped3A = tpu.sem_alloc : memref<!tpu.dma_semaphore, #tpu.memory_space<semaphore_mem>>
          %dma_start3A_37 = arith.constant 0 : i32
          %dma_start3A_38 = arith.constant 0 : i32
          %dma_start3A_39 = tpu.memref_slice %arg9[%dma_start3A_37, %dma_start3A_38] : memref<10000x128xf32, #tpu.memory_space<vmem_shared>> -> memref<10000x128xf32, #tpu.memory_space<vmem_shared>>
          tpu.enqueue_indirect_dma source(%arg8 : memref<128x128xf32, #tpu.memory_space<vmem>>) target(%dma_start3A_39 : memref<10000x128xf32, #tpu.memory_space<vmem_shared>>) offsets(%arg7 : memref<128xi32, #tpu.memory_space<vmem>>) semaphore(%run_scoped3A : memref<!tpu.dma_semaphore, #tpu.memory_space<semaphore_mem>>) {add = true}
          %dma_wait3A_40 = arith.constant 0 : i32
          %dma_wait3A_41 = arith.constant 0 : i32
          %dma_wait3A_42 = tpu.memref_slice %arg9[%dma_wait3A_40, %dma_wait3A_41] : memref<10000x128xf32, #tpu.memory_space<vmem_shared>> -> memref<10000x128xf32, #tpu.memory_space<vmem_shared>>
          tpu.wait_indirect_dma semaphore(%run_scoped3A : memref<!tpu.dma_semaphore, #tpu.memory_space<semaphore_mem>>) src(%arg8 : memref<128x128xf32, #tpu.memory_space<vmem>>) dst(%dma_wait3A_42 : memref<10000x128xf32, #tpu.memory_space<vmem_shared>>)
          tpu.yield
        }) : () -> ()
      } else {
      }
    }
    %scan3A_17 = arith.constant 79 : i32
    %barrier3A_18 = arith.constant 0 : index
    tpu.barrier barrier_id(%barrier3A_18)
    %mul3A_19 = arith.constant 624 : i32
    %mul3A_20 = arith.muli %arg1, %mul3A_19 : i32
    "tpu.region"() ({
      %run_scoped3A = tpu.sem_alloc : memref<!tpu.dma_semaphore, #tpu.memory_space<semaphore_mem>>
      %dma_start3A = arith.constant 0 : i32
      %dma_start3A_23 = tpu.memref_slice %arg5[%arg0, %mul3A_20, %dma_start3A] : memref<2x10000x128xf32, #tpu.memory_space<hbm>> -> memref<1x624x128xf32, #tpu.memory_space<hbm>>
      %dma_start3A_24 = tpu.memref_squeeze %dma_start3A_23 : memref<1x624x128xf32, #tpu.memory_space<hbm>> -> memref<624x128xf32, #tpu.memory_space<hbm>>
      %dma_start3A_25 = arith.constant 0 : i32
      %dma_start3A_26 = tpu.memref_slice %arg9[%mul3A_20, %dma_start3A_25] : memref<10000x128xf32, #tpu.memory_space<vmem_shared>> -> memref<624x128xf32, #tpu.memory_space<vmem_shared>>
      tpu.enqueue_dma source(%dma_start3A_26 : memref<624x128xf32, #tpu.memory_space<vmem_shared>>) target(%dma_start3A_24 : memref<624x128xf32, #tpu.memory_space<hbm>>) target_semaphore(%run_scoped3A : memref<!tpu.dma_semaphore, #tpu.memory_space<semaphore_mem>>)
      %dma_wait3A = arith.constant 0 : i32
      %dma_wait3A_27 = tpu.memref_slice %arg5[%arg0, %mul3A_20, %dma_wait3A] : memref<2x10000x128xf32, #tpu.memory_space<hbm>> -> memref<1x624x128xf32, #tpu.memory_space<hbm>>
      %dma_wait3A_28 = tpu.memref_squeeze %dma_wait3A_27 : memref<1x624x128xf32, #tpu.memory_space<hbm>> -> memref<624x128xf32, #tpu.memory_space<hbm>>
      %dma_wait3A_29 = arith.constant 0 : i32
      %dma_wait3A_30 = tpu.memref_slice %arg9[%mul3A_20, %dma_wait3A_29] : memref<10000x128xf32, #tpu.memory_space<vmem_shared>> -> memref<624x128xf32, #tpu.memory_space<vmem_shared>>
      tpu.wait_dma2 semaphore(%run_scoped3A : memref<!tpu.dma_semaphore, #tpu.memory_space<semaphore_mem>>) src(%dma_wait3A_30 : memref<624x128xf32, #tpu.memory_space<vmem_shared>>) dst(%dma_wait3A_28 : memref<624x128xf32, #tpu.memory_space<hbm>>)
      tpu.yield
    }) : () -> ()
    %eq3A = arith.constant 15 : i32
    %eq3A_21 = arith.cmpi eq, %arg1, %eq3A : i32
    %convert_element_type3A = arith.extui %eq3A_21 : i1 to i32
    %cond3A = arith.constant 0 : i32
    %cond3A_22 = arith.cmpi ne, %convert_element_type3A, %cond3A : i32
    scf.if %cond3A_22 {
      "tpu.region"() ({
        %run_scoped3A = tpu.sem_alloc : memref<!tpu.dma_semaphore, #tpu.memory_space<semaphore_mem>>
        %dma_start3A = arith.constant 9984 : i32
        %dma_start3A_23 = arith.constant 0 : i32
        %dma_start3A_24 = tpu.memref_slice %arg5[%arg0, %dma_start3A, %dma_start3A_23] : memref<2x10000x128xf32, #tpu.memory_space<hbm>> -> memref<1x16x128xf32, #tpu.memory_space<hbm>>
        %dma_start3A_25 = tpu.memref_squeeze %dma_start3A_24 : memref<1x16x128xf32, #tpu.memory_space<hbm>> -> memref<16x128xf32, #tpu.memory_space<hbm>>
        %dma_start3A_26 = arith.constant 9984 : i32
        %dma_start3A_27 = arith.constant 0 : i32
        %dma_start3A_28 = tpu.memref_slice %arg9[%dma_start3A_26, %dma_start3A_27] : memref<10000x128xf32, #tpu.memory_space<vmem_shared>> -> memref<16x128xf32, #tpu.memory_space<vmem_shared>>
        tpu.enqueue_dma source(%dma_start3A_28 : memref<16x128xf32, #tpu.memory_space<vmem_shared>>) target(%dma_start3A_25 : memref<16x128xf32, #tpu.memory_space<hbm>>) target_semaphore(%run_scoped3A : memref<!tpu.dma_semaphore, #tpu.memory_space<semaphore_mem>>)
        %dma_wait3A = arith.constant 9984 : i32
        %dma_wait3A_29 = arith.constant 0 : i32
        %dma_wait3A_30 = tpu.memref_slice %arg5[%arg0, %dma_wait3A, %dma_wait3A_29] : memref<2x10000x128xf32, #tpu.memory_space<hbm>> -> memref<1x16x128xf32, #tpu.memory_space<hbm>>
        %dma_wait3A_31 = tpu.memref_squeeze %dma_wait3A_30 : memref<1x16x128xf32, #tpu.memory_space<hbm>> -> memref<16x128xf32, #tpu.memory_space<hbm>>
        %dma_wait3A_32 = arith.constant 9984 : i32
        %dma_wait3A_33 = arith.constant 0 : i32
        %dma_wait3A_34 = tpu.memref_slice %arg9[%dma_wait3A_32, %dma_wait3A_33] : memref<10000x128xf32, #tpu.memory_space<vmem_shared>> -> memref<16x128xf32, #tpu.memory_space<vmem_shared>>
        tpu.wait_dma2 semaphore(%run_scoped3A : memref<!tpu.dma_semaphore, #tpu.memory_space<semaphore_mem>>) src(%dma_wait3A_34 : memref<16x128xf32, #tpu.memory_space<vmem_shared>>) dst(%dma_wait3A_31 : memref<16x128xf32, #tpu.memory_space<hbm>>)
        tpu.yield
      }) : () -> ()
    } else {
    }
    return
  }
}

#map = affine_map<(d0, d1) -> (0, 0)>
#map1 = affine_map<(d0, d1) -> (0)>
#map2 = affine_map<(d0, d1) -> (0, 0, 0)>
module attributes {stable_mosaic.version = 14 : i64} {
  func.func @_agg_body(%arg0: i32, %arg1: i32, %arg2: memref<10000x128xf32, #tpu.memory_space<hbm>>, %arg3: memref<320000xi32, #tpu.memory_space<hbm>>, %arg4: memref<320000xi32, #tpu.memory_space<hbm>>, %arg5: memref<2x10000x128xf32, #tpu.memory_space<hbm>>, %arg6: memref<128xi32, #tpu.memory_space<vmem>>, %arg7: memref<128xi32, #tpu.memory_space<vmem>>, %arg8: memref<128x128xf32, #tpu.memory_space<vmem>>, %arg9: memref<10000x128xf32, #tpu.memory_space<vmem_shared>>, %arg10: memref<!tpu.dma_semaphore, #tpu.memory_space<semaphore_mem>>) attributes {dimension_semantics = [#tpu.dimension_semantics<core_parallel>, #tpu.dimension_semantics<subcore_parallel>], iteration_bounds = array<i64: 2, 16>, scalar_prefetch = 0 : i64, scratch_operands = 5 : i64, tpu.core_type = #tpu.core_type<sc_vector_subcore>, window_params = [{transform_indices = #map}, {transform_indices = #map1}, {transform_indices = #map1}, {transform_indices = #map2}]} {
    %mul3A = arith.constant 2 : i32
    %mul3A_0 = arith.muli %arg1, %mul3A : i32
    %add3A = arith.addi %mul3A_0, %arg0 : i32
    %scan3A = arith.constant 0 : i32
    %scan3A_1 = arith.constant 0 : i32
    %scan3A_2 = arith.constant 128 : i32
    %scan3A_3 = arith.addi %scan3A_1, %scan3A_2 : i32
    %scan3A_4 = arith.constant 1 : i32
    scf.for %scan3A_23 = %scan3A_1 to %scan3A_3 step %scan3A_4  : i32 {
      %broadcast_in_dim3A = arith.constant 0.000000e+00 : f32
      %broadcast_in_dim3A_24 = vector.broadcast %broadcast_in_dim3A : f32 to vector<16xf32>
      %swap3A = arith.index_cast %scan3A_23 : i32 to index
      %swap3A_25 = arith.constant 0 : index
      %swap3A_26 = tpu.vector_load %arg8[%swap3A, %swap3A_25] {strides = array<i32>} : memref<128x128xf32, #tpu.memory_space<vmem>>, vector<1x16xf32>,
      %swap3A_27 = vector.shape_cast %swap3A_26 : vector<1x16xf32> to vector<16xf32>
      %swap3A_28 = vector.shape_cast %broadcast_in_dim3A_24 : vector<16xf32> to vector<1x16xf32>
      tpu.vector_store %arg8[%swap3A, %swap3A_25], %swap3A_28 {strides = array<i32>} : memref<128x128xf32, #tpu.memory_space<vmem>>, vector<1x16xf32>,
      %broadcast_in_dim3A_29 = arith.constant 0.000000e+00 : f32
      %broadcast_in_dim3A_30 = vector.broadcast %broadcast_in_dim3A_29 : f32 to vector<16xf32>
      %swap3A_31 = arith.index_cast %scan3A_23 : i32 to index
      %swap3A_32 = arith.constant 16 : index
      %swap3A_33 = tpu.vector_load %arg8[%swap3A_31, %swap3A_32] {strides = array<i32>} : memref<128x128xf32, #tpu.memory_space<vmem>>, vector<1x16xf32>,
      %swap3A_34 = vector.shape_cast %swap3A_33 : vector<1x16xf32> to vector<16xf32>
      %swap3A_35 = vector.shape_cast %broadcast_in_dim3A_30 : vector<16xf32> to vector<1x16xf32>
      tpu.vector_store %arg8[%swap3A_31, %swap3A_32], %swap3A_35 {strides = array<i32>} : memref<128x128xf32, #tpu.memory_space<vmem>>, vector<1x16xf32>,
      %broadcast_in_dim3A_36 = arith.constant 0.000000e+00 : f32
      %broadcast_in_dim3A_37 = vector.broadcast %broadcast_in_dim3A_36 : f32 to vector<16xf32>
      %swap3A_38 = arith.index_cast %scan3A_23 : i32 to index
      %swap3A_39 = arith.constant 32 : index
      %swap3A_40 = tpu.vector_load %arg8[%swap3A_38, %swap3A_39] {strides = array<i32>} : memref<128x128xf32, #tpu.memory_space<vmem>>, vector<1x16xf32>,
      %swap3A_41 = vector.shape_cast %swap3A_40 : vector<1x16xf32> to vector<16xf32>
      %swap3A_42 = vector.shape_cast %broadcast_in_dim3A_37 : vector<16xf32> to vector<1x16xf32>
      tpu.vector_store %arg8[%swap3A_38, %swap3A_39], %swap3A_42 {strides = array<i32>} : memref<128x128xf32, #tpu.memory_space<vmem>>, vector<1x16xf32>,
      %broadcast_in_dim3A_43 = arith.constant 0.000000e+00 : f32
      %broadcast_in_dim3A_44 = vector.broadcast %broadcast_in_dim3A_43 : f32 to vector<16xf32>
      %swap3A_45 = arith.index_cast %scan3A_23 : i32 to index
      %swap3A_46 = arith.constant 48 : index
      %swap3A_47 = tpu.vector_load %arg8[%swap3A_45, %swap3A_46] {strides = array<i32>} : memref<128x128xf32, #tpu.memory_space<vmem>>, vector<1x16xf32>,
      %swap3A_48 = vector.shape_cast %swap3A_47 : vector<1x16xf32> to vector<16xf32>
      %swap3A_49 = vector.shape_cast %broadcast_in_dim3A_44 : vector<16xf32> to vector<1x16xf32>
      tpu.vector_store %arg8[%swap3A_45, %swap3A_46], %swap3A_49 {strides = array<i32>} : memref<128x128xf32, #tpu.memory_space<vmem>>, vector<1x16xf32>,
      %broadcast_in_dim3A_50 = arith.constant 0.000000e+00 : f32
      %broadcast_in_dim3A_51 = vector.broadcast %broadcast_in_dim3A_50 : f32 to vector<16xf32>
      %swap3A_52 = arith.index_cast %scan3A_23 : i32 to index
      %swap3A_53 = arith.constant 64 : index
      %swap3A_54 = tpu.vector_load %arg8[%swap3A_52, %swap3A_53] {strides = array<i32>} : memref<128x128xf32, #tpu.memory_space<vmem>>, vector<1x16xf32>,
      %swap3A_55 = vector.shape_cast %swap3A_54 : vector<1x16xf32> to vector<16xf32>
      %swap3A_56 = vector.shape_cast %broadcast_in_dim3A_51 : vector<16xf32> to vector<1x16xf32>
      tpu.vector_store %arg8[%swap3A_52, %swap3A_53], %swap3A_56 {strides = array<i32>} : memref<128x128xf32, #tpu.memory_space<vmem>>, vector<1x16xf32>,
      %broadcast_in_dim3A_57 = arith.constant 0.000000e+00 : f32
      %broadcast_in_dim3A_58 = vector.broadcast %broadcast_in_dim3A_57 : f32 to vector<16xf32>
      %swap3A_59 = arith.index_cast %scan3A_23 : i32 to index
      %swap3A_60 = arith.constant 80 : index
      %swap3A_61 = tpu.vector_load %arg8[%swap3A_59, %swap3A_60] {strides = array<i32>} : memref<128x128xf32, #tpu.memory_space<vmem>>, vector<1x16xf32>,
      %swap3A_62 = vector.shape_cast %swap3A_61 : vector<1x16xf32> to vector<16xf32>
      %swap3A_63 = vector.shape_cast %broadcast_in_dim3A_58 : vector<16xf32> to vector<1x16xf32>
      tpu.vector_store %arg8[%swap3A_59, %swap3A_60], %swap3A_63 {strides = array<i32>} : memref<128x128xf32, #tpu.memory_space<vmem>>, vector<1x16xf32>,
      %broadcast_in_dim3A_64 = arith.constant 0.000000e+00 : f32
      %broadcast_in_dim3A_65 = vector.broadcast %broadcast_in_dim3A_64 : f32 to vector<16xf32>
      %swap3A_66 = arith.index_cast %scan3A_23 : i32 to index
      %swap3A_67 = arith.constant 96 : index
      %swap3A_68 = tpu.vector_load %arg8[%swap3A_66, %swap3A_67] {strides = array<i32>} : memref<128x128xf32, #tpu.memory_space<vmem>>, vector<1x16xf32>,
      %swap3A_69 = vector.shape_cast %swap3A_68 : vector<1x16xf32> to vector<16xf32>
      %swap3A_70 = vector.shape_cast %broadcast_in_dim3A_65 : vector<16xf32> to vector<1x16xf32>
      tpu.vector_store %arg8[%swap3A_66, %swap3A_67], %swap3A_70 {strides = array<i32>} : memref<128x128xf32, #tpu.memory_space<vmem>>, vector<1x16xf32>,
      %broadcast_in_dim3A_71 = arith.constant 0.000000e+00 : f32
      %broadcast_in_dim3A_72 = vector.broadcast %broadcast_in_dim3A_71 : f32 to vector<16xf32>
      %swap3A_73 = arith.index_cast %scan3A_23 : i32 to index
      %swap3A_74 = arith.constant 112 : index
      %swap3A_75 = tpu.vector_load %arg8[%swap3A_73, %swap3A_74] {strides = array<i32>} : memref<128x128xf32, #tpu.memory_space<vmem>>, vector<1x16xf32>,
      %swap3A_76 = vector.shape_cast %swap3A_75 : vector<1x16xf32> to vector<16xf32>
      %swap3A_77 = vector.shape_cast %broadcast_in_dim3A_72 : vector<16xf32> to vector<1x16xf32>
      tpu.vector_store %arg8[%swap3A_73, %swap3A_74], %swap3A_77 {strides = array<i32>} : memref<128x128xf32, #tpu.memory_space<vmem>>, vector<1x16xf32>,
    }
    %scan3A_5 = arith.constant 128 : i32
    %scan3A_6 = arith.constant 0 : i32
    %scan3A_7 = arith.constant 0 : i32
    %scan3A_8 = arith.constant 8 : i32
    %scan3A_9 = arith.addi %scan3A_7, %scan3A_8 : i32
    %scan3A_10 = arith.constant 1 : i32
    scf.for %scan3A_23 = %scan3A_7 to %scan3A_9 step %scan3A_10  : i32 {
      %mul3A_24 = arith.constant 16 : i32
      %mul3A_25 = arith.muli %scan3A_23, %mul3A_24 : i32
      %add3A_26 = arith.addi %arg1, %mul3A_25 : i32
      %lt3A = arith.constant 125 : i32
      %lt3A_27 = arith.cmpi slt, %add3A_26, %lt3A : i32
      %convert_element_type3A_28 = arith.extui %lt3A_27 : i1 to i32
      %cond3A_29 = arith.constant 0 : i32
      %cond3A_30 = arith.cmpi ne, %convert_element_type3A_28, %cond3A_29 : i32
      scf.if %cond3A_30 {
        %mul3A_31 = arith.constant 80 : i32
        %mul3A_32 = arith.muli %add3A_26, %mul3A_31 : i32
        "tpu.region"() ({
          %run_scoped3A = tpu.sem_alloc : memref<!tpu.dma_semaphore, #tpu.memory_space<semaphore_mem>>
          %dma_start3A = arith.constant 0 : i32
          %dma_start3A_33 = arith.constant 0 : i32
          %dma_start3A_34 = tpu.memref_slice %arg8[%dma_start3A, %dma_start3A_33] : memref<128x128xf32, #tpu.memory_space<vmem>> -> memref<80x128xf32, #tpu.memory_space<vmem>>
          %dma_start3A_35 = arith.constant 0 : i32
          %dma_start3A_36 = tpu.memref_slice %arg9[%mul3A_32, %dma_start3A_35] : memref<10000x128xf32, #tpu.memory_space<vmem_shared>> -> memref<80x128xf32, #tpu.memory_space<vmem_shared>>
          %dma_start3A_37 = arith.constant 0 : i32
          %dma_start3A_38 = tpu.memref_slice %arg9[%mul3A_32, %dma_start3A_37] : memref<10000x128xf32, #tpu.memory_space<vmem_shared>> -> memref<80x128xf32, #tpu.memory_space<vmem_shared>>
          %dma_start3A_39 = arith.constant 0 : i32
          %dma_start3A_40 = arith.constant 0 : i32
          %dma_start3A_41 = tpu.memref_slice %arg8[%dma_start3A_39, %dma_start3A_40] : memref<128x128xf32, #tpu.memory_space<vmem>> -> memref<80x128xf32, #tpu.memory_space<vmem>>
          tpu.enqueue_dma source(%dma_start3A_41 : memref<80x128xf32, #tpu.memory_space<vmem>>) target(%dma_start3A_38 : memref<80x128xf32, #tpu.memory_space<vmem_shared>>) target_semaphore(%run_scoped3A : memref<!tpu.dma_semaphore, #tpu.memory_space<semaphore_mem>>)
          %dma_wait3A = arith.constant 0 : i32
          %dma_wait3A_42 = arith.constant 0 : i32
          %dma_wait3A_43 = tpu.memref_slice %arg8[%dma_wait3A, %dma_wait3A_42] : memref<128x128xf32, #tpu.memory_space<vmem>> -> memref<80x128xf32, #tpu.memory_space<vmem>>
          %dma_wait3A_44 = arith.constant 0 : i32
          %dma_wait3A_45 = tpu.memref_slice %arg9[%mul3A_32, %dma_wait3A_44] : memref<10000x128xf32, #tpu.memory_space<vmem_shared>> -> memref<80x128xf32, #tpu.memory_space<vmem_shared>>
          %dma_wait3A_46 = arith.constant 0 : i32
          %dma_wait3A_47 = tpu.memref_slice %arg9[%mul3A_32, %dma_wait3A_46] : memref<10000x128xf32, #tpu.memory_space<vmem_shared>> -> memref<80x128xf32, #tpu.memory_space<vmem_shared>>
          %dma_wait3A_48 = arith.constant 0 : i32
          %dma_wait3A_49 = arith.constant 0 : i32
          %dma_wait3A_50 = tpu.memref_slice %arg8[%dma_wait3A_48, %dma_wait3A_49] : memref<128x128xf32, #tpu.memory_space<vmem>> -> memref<80x128xf32, #tpu.memory_space<vmem>>
          tpu.wait_dma2 semaphore(%run_scoped3A : memref<!tpu.dma_semaphore, #tpu.memory_space<semaphore_mem>>) src(%dma_wait3A_50 : memref<80x128xf32, #tpu.memory_space<vmem>>) dst(%dma_wait3A_47 : memref<80x128xf32, #tpu.memory_space<vmem_shared>>)
          tpu.yield
        }) : () -> ()
      } else {
      }
    }
    %scan3A_11 = arith.constant 8 : i32
    %barrier3A = arith.constant 0 : index
    tpu.barrier barrier_id(%barrier3A)
    %scan3A_12 = arith.constant 0 : i32
    %scan3A_13 = arith.constant 0 : i32
    %scan3A_14 = arith.constant 79 : i32
    %scan3A_15 = arith.addi %scan3A_13, %scan3A_14 : i32
    %scan3A_16 = arith.constant 1 : i32
    scf.for %scan3A_23 = %scan3A_13 to %scan3A_15 step %scan3A_16  : i32 {
      %mul3A_24 = arith.constant 32 : i32
      %mul3A_25 = arith.muli %scan3A_23, %mul3A_24 : i32
      %add3A_26 = arith.addi %add3A, %mul3A_25 : i32
      %lt3A = arith.constant 2500 : i32
      %lt3A_27 = arith.cmpi slt, %add3A_26, %lt3A : i32
      %convert_element_type3A_28 = arith.extui %lt3A_27 : i1 to i32
      %cond3A_29 = arith.constant 0 : i32
      %cond3A_30 = arith.cmpi ne, %convert_element_type3A_28, %cond3A_29 : i32
      scf.if %cond3A_30 {
        %mul3A_31 = arith.constant 128 : i32
        %mul3A_32 = arith.muli %add3A_26, %mul3A_31 : i32
        "tpu.region"() ({
          %run_scoped3A = tpu.sem_alloc : memref<!tpu.dma_semaphore, #tpu.memory_space<semaphore_mem>>
          %dma_start3A_37 = tpu.memref_slice %arg3[%mul3A_32] : memref<320000xi32, #tpu.memory_space<hbm>> -> memref<128xi32, #tpu.memory_space<hbm>>
          %dma_start3A_38 = tpu.memref_slice %arg3[%mul3A_32] : memref<320000xi32, #tpu.memory_space<hbm>> -> memref<128xi32, #tpu.memory_space<hbm>>
          tpu.enqueue_dma source(%dma_start3A_38 : memref<128xi32, #tpu.memory_space<hbm>>) target(%arg6 : memref<128xi32, #tpu.memory_space<vmem>>) target_semaphore(%run_scoped3A : memref<!tpu.dma_semaphore, #tpu.memory_space<semaphore_mem>>)
          %dma_wait3A_39 = tpu.memref_slice %arg3[%mul3A_32] : memref<320000xi32, #tpu.memory_space<hbm>> -> memref<128xi32, #tpu.memory_space<hbm>>
          %dma_wait3A_40 = tpu.memref_slice %arg3[%mul3A_32] : memref<320000xi32, #tpu.memory_space<hbm>> -> memref<128xi32, #tpu.memory_space<hbm>>
          tpu.wait_dma2 semaphore(%run_scoped3A : memref<!tpu.dma_semaphore, #tpu.memory_space<semaphore_mem>>) src(%dma_wait3A_40 : memref<128xi32, #tpu.memory_space<hbm>>) dst(%arg6 : memref<128xi32, #tpu.memory_space<vmem>>)
          tpu.yield
        }) : () -> ()
        "tpu.region"() ({
          %run_scoped3A = tpu.sem_alloc : memref<!tpu.dma_semaphore, #tpu.memory_space<semaphore_mem>>
          %dma_start3A_37 = tpu.memref_slice %arg4[%mul3A_32] : memref<320000xi32, #tpu.memory_space<hbm>> -> memref<128xi32, #tpu.memory_space<hbm>>
          %dma_start3A_38 = tpu.memref_slice %arg4[%mul3A_32] : memref<320000xi32, #tpu.memory_space<hbm>> -> memref<128xi32, #tpu.memory_space<hbm>>
          tpu.enqueue_dma source(%dma_start3A_38 : memref<128xi32, #tpu.memory_space<hbm>>) target(%arg7 : memref<128xi32, #tpu.memory_space<vmem>>) target_semaphore(%run_scoped3A : memref<!tpu.dma_semaphore, #tpu.memory_space<semaphore_mem>>)
          %dma_wait3A_39 = tpu.memref_slice %arg4[%mul3A_32] : memref<320000xi32, #tpu.memory_space<hbm>> -> memref<128xi32, #tpu.memory_space<hbm>>
          %dma_wait3A_40 = tpu.memref_slice %arg4[%mul3A_32] : memref<320000xi32, #tpu.memory_space<hbm>> -> memref<128xi32, #tpu.memory_space<hbm>>
          tpu.wait_dma2 semaphore(%run_scoped3A : memref<!tpu.dma_semaphore, #tpu.memory_space<semaphore_mem>>) src(%dma_wait3A_40 : memref<128xi32, #tpu.memory_space<hbm>>) dst(%arg7 : memref<128xi32, #tpu.memory_space<vmem>>)
          tpu.yield
        }) : () -> ()
        %dma_start3A = arith.constant 0 : i32
        %dma_start3A_33 = arith.constant 0 : i32
        %dma_start3A_34 = tpu.memref_slice %arg2[%dma_start3A, %dma_start3A_33] : memref<10000x128xf32, #tpu.memory_space<hbm>> -> memref<10000x128xf32, #tpu.memory_space<hbm>>
        tpu.enqueue_indirect_dma source(%dma_start3A_34 : memref<10000x128xf32, #tpu.memory_space<hbm>>) target(%arg8 : memref<128x128xf32, #tpu.memory_space<vmem>>) offsets(%arg6 : memref<128xi32, #tpu.memory_space<vmem>>) semaphore(%arg10 : memref<!tpu.dma_semaphore, #tpu.memory_space<semaphore_mem>>)
        %dma_wait3A = arith.constant 0 : i32
        %dma_wait3A_35 = arith.constant 0 : i32
        %dma_wait3A_36 = tpu.memref_slice %arg2[%dma_wait3A, %dma_wait3A_35] : memref<10000x128xf32, #tpu.memory_space<hbm>> -> memref<10000x128xf32, #tpu.memory_space<hbm>>
        tpu.wait_indirect_dma semaphore(%arg10 : memref<!tpu.dma_semaphore, #tpu.memory_space<semaphore_mem>>) src(%dma_wait3A_36 : memref<10000x128xf32, #tpu.memory_space<hbm>>) dst(%arg8 : memref<128x128xf32, #tpu.memory_space<vmem>>)
        "tpu.region"() ({
          %run_scoped3A = tpu.sem_alloc : memref<!tpu.dma_semaphore, #tpu.memory_space<semaphore_mem>>
          %dma_start3A_37 = arith.constant 0 : i32
          %dma_start3A_38 = arith.constant 0 : i32
          %dma_start3A_39 = tpu.memref_slice %arg9[%dma_start3A_37, %dma_start3A_38] : memref<10000x128xf32, #tpu.memory_space<vmem_shared>> -> memref<10000x128xf32, #tpu.memory_space<vmem_shared>>
          tpu.enqueue_indirect_dma source(%arg8 : memref<128x128xf32, #tpu.memory_space<vmem>>) target(%dma_start3A_39 : memref<10000x128xf32, #tpu.memory_space<vmem_shared>>) offsets(%arg7 : memref<128xi32, #tpu.memory_space<vmem>>) semaphore(%run_scoped3A : memref<!tpu.dma_semaphore, #tpu.memory_space<semaphore_mem>>) {add = true}
          %dma_wait3A_40 = arith.constant 0 : i32
          %dma_wait3A_41 = arith.constant 0 : i32
          %dma_wait3A_42 = tpu.memref_slice %arg9[%dma_wait3A_40, %dma_wait3A_41] : memref<10000x128xf32, #tpu.memory_space<vmem_shared>> -> memref<10000x128xf32, #tpu.memory_space<vmem_shared>>
          tpu.wait_indirect_dma semaphore(%run_scoped3A : memref<!tpu.dma_semaphore, #tpu.memory_space<semaphore_mem>>) src(%arg8 : memref<128x128xf32, #tpu.memory_space<vmem>>) dst(%dma_wait3A_42 : memref<10000x128xf32, #tpu.memory_space<vmem_shared>>)
          tpu.yield
        }) : () -> ()
      } else {
      }
    }
    %scan3A_17 = arith.constant 79 : i32
    %barrier3A_18 = arith.constant 0 : index
    tpu.barrier barrier_id(%barrier3A_18)
    %mul3A_19 = arith.constant 624 : i32
    %mul3A_20 = arith.muli %arg1, %mul3A_19 : i32
    "tpu.region"() ({
      %run_scoped3A = tpu.sem_alloc : memref<!tpu.dma_semaphore, #tpu.memory_space<semaphore_mem>>
      %dma_start3A = arith.constant 0 : i32
      %dma_start3A_23 = tpu.memref_slice %arg5[%arg0, %mul3A_20, %dma_start3A] : memref<2x10000x128xf32, #tpu.memory_space<hbm>> -> memref<1x624x128xf32, #tpu.memory_space<hbm>>
      %dma_start3A_24 = tpu.memref_squeeze %dma_start3A_23 : memref<1x624x128xf32, #tpu.memory_space<hbm>> -> memref<624x128xf32, #tpu.memory_space<hbm>>
      %dma_start3A_25 = arith.constant 0 : i32
      %dma_start3A_26 = tpu.memref_slice %arg9[%mul3A_20, %dma_start3A_25] : memref<10000x128xf32, #tpu.memory_space<vmem_shared>> -> memref<624x128xf32, #tpu.memory_space<vmem_shared>>
      tpu.enqueue_dma source(%dma_start3A_26 : memref<624x128xf32, #tpu.memory_space<vmem_shared>>) target(%dma_start3A_24 : memref<624x128xf32, #tpu.memory_space<hbm>>) target_semaphore(%run_scoped3A : memref<!tpu.dma_semaphore, #tpu.memory_space<semaphore_mem>>)
      %dma_wait3A = arith.constant 0 : i32
      %dma_wait3A_27 = tpu.memref_slice %arg5[%arg0, %mul3A_20, %dma_wait3A] : memref<2x10000x128xf32, #tpu.memory_space<hbm>> -> memref<1x624x128xf32, #tpu.memory_space<hbm>>
      %dma_wait3A_28 = tpu.memref_squeeze %dma_wait3A_27 : memref<1x624x128xf32, #tpu.memory_space<hbm>> -> memref<624x128xf32, #tpu.memory_space<hbm>>
      %dma_wait3A_29 = arith.constant 0 : i32
      %dma_wait3A_30 = tpu.memref_slice %arg9[%mul3A_20, %dma_wait3A_29] : memref<10000x128xf32, #tpu.memory_space<vmem_shared>> -> memref<624x128xf32, #tpu.memory_space<vmem_shared>>
      tpu.wait_dma2 semaphore(%run_scoped3A : memref<!tpu.dma_semaphore, #tpu.memory_space<semaphore_mem>>) src(%dma_wait3A_30 : memref<624x128xf32, #tpu.memory_space<vmem_shared>>) dst(%dma_wait3A_28 : memref<624x128xf32, #tpu.memory_space<hbm>>)
      tpu.yield
    }) : () -> ()
    %eq3A = arith.constant 15 : i32
    %eq3A_21 = arith.cmpi eq, %arg1, %eq3A : i32
    %convert_element_type3A = arith.extui %eq3A_21 : i1 to i32
    %cond3A = arith.constant 0 : i32
    %cond3A_22 = arith.cmpi ne, %convert_element_type3A, %cond3A : i32
    scf.if %cond3A_22 {
      "tpu.region"() ({
        %run_scoped3A = tpu.sem_alloc : memref<!tpu.dma_semaphore, #tpu.memory_space<semaphore_mem>>
        %dma_start3A = arith.constant 9984 : i32
        %dma_start3A_23 = arith.constant 0 : i32
        %dma_start3A_24 = tpu.memref_slice %arg5[%arg0, %dma_start3A, %dma_start3A_23] : memref<2x10000x128xf32, #tpu.memory_space<hbm>> -> memref<1x16x128xf32, #tpu.memory_space<hbm>>
        %dma_start3A_25 = tpu.memref_squeeze %dma_start3A_24 : memref<1x16x128xf32, #tpu.memory_space<hbm>> -> memref<16x128xf32, #tpu.memory_space<hbm>>
        %dma_start3A_26 = arith.constant 9984 : i32
        %dma_start3A_27 = arith.constant 0 : i32
        %dma_start3A_28 = tpu.memref_slice %arg9[%dma_start3A_26, %dma_start3A_27] : memref<10000x128xf32, #tpu.memory_space<vmem_shared>> -> memref<16x128xf32, #tpu.memory_space<vmem_shared>>
        tpu.enqueue_dma source(%dma_start3A_28 : memref<16x128xf32, #tpu.memory_space<vmem_shared>>) target(%dma_start3A_25 : memref<16x128xf32, #tpu.memory_space<hbm>>) target_semaphore(%run_scoped3A : memref<!tpu.dma_semaphore, #tpu.memory_space<semaphore_mem>>)
        %dma_wait3A = arith.constant 9984 : i32
        %dma_wait3A_29 = arith.constant 0 : i32
        %dma_wait3A_30 = tpu.memref_slice %arg5[%arg0, %dma_wait3A, %dma_wait3A_29] : memref<2x10000x128xf32, #tpu.memory_space<hbm>> -> memref<1x16x128xf32, #tpu.memory_space<hbm>>
        %dma_wait3A_31 = tpu.memref_squeeze %dma_wait3A_30 : memref<1x16x128xf32, #tpu.memory_space<hbm>> -> memref<16x128xf32, #tpu.memory_space<hbm>>
        %dma_wait3A_32 = arith.constant 9984 : i32
        %dma_wait3A_33 = arith.constant 0 : i32
        %dma_wait3A_34 = tpu.memref_slice %arg9[%dma_wait3A_32, %dma_wait3A_33] : memref<10000x128xf32, #tpu.memory_space<vmem_shared>> -> memref<16x128xf32, #tpu.memory_space<vmem_shared>>
        tpu.wait_dma2 semaphore(%run_scoped3A : memref<!tpu.dma_semaphore, #tpu.memory_space<semaphore_mem>>) src(%dma_wait3A_34 : memref<16x128xf32, #tpu.memory_space<vmem_shared>>) dst(%dma_wait3A_31 : memref<16x128xf32, #tpu.memory_space<hbm>>)
        tpu.yield
      }) : () -> ()
    } else {
    }
    return
  }
}

module attributes {stable_mosaic.version = 14 : i64} {
  func.func @_mlp_body(%arg0: i32, %arg1: memref<1x1xf32, #tpu.memory_space<smem>>, %arg2: memref<1000x128xf32, #tpu.memory_space<vmem>>, %arg3: memref<2x1000x128xf32, #tpu.memory_space<vmem>>, %arg4: memref<128x128xf32, #tpu.memory_space<vmem>>, %arg5: memref<1x128xf32, #tpu.memory_space<vmem>>, %arg6: memref<128x128xf32, #tpu.memory_space<vmem>>, %arg7: memref<1x128xf32, #tpu.memory_space<vmem>>, %arg8: memref<1000x1xi32, #tpu.memory_space<vmem>>, %arg9: memref<1000x128xf32, #tpu.memory_space<vmem>>, %arg10: memref<128x128xf32, #tpu.memory_space<vmem>>) attributes {dimension_semantics = [#tpu.dimension_semantics<arbitrary>], iteration_bounds = array<i64: 10>, scalar_prefetch = 0 : i64, scratch_operands = 0 : i64, tpu.core_type = #tpu.core_type<tc>, window_params = [{transform_indices = @transform_0, window_bounds = array<i64: 1, 1>}, {transform_indices = @transform_1, window_bounds = array<i64: 1000, 128>}, {transform_indices = @transform_2, window_bounds = array<i64: 2, 1000, 128>}, {pipeline_mode = #tpu.pipeline_mode<synchronous>, transform_indices = @transform_3, window_bounds = array<i64: 128, 128>}, {pipeline_mode = #tpu.pipeline_mode<synchronous>, transform_indices = @transform_4, window_bounds = array<i64: 1, 128>}, {pipeline_mode = #tpu.pipeline_mode<synchronous>, transform_indices = @transform_5, window_bounds = array<i64: 128, 128>}, {pipeline_mode = #tpu.pipeline_mode<synchronous>, transform_indices = @transform_6, window_bounds = array<i64: 1, 128>}, {transform_indices = @transform_7, window_bounds = array<i64: 1000, 1>}, {transform_indices = @transform_8, window_bounds = array<i64: 1000, 128>}, {pipeline_mode = #tpu.pipeline_mode<synchronous>, transform_indices = @transform_9, window_bounds = array<i64: 128, 128>}]} {
    %get3A = arith.constant 0 : index
    %get3A_0 = arith.constant 0 : index
    %get3A_1 = vector.load %arg2[%get3A, %get3A_0] : memref<1000x128xf32, #tpu.memory_space<vmem>>, vector<1000x128xf32>
    %get3A_2 = arith.constant 0 : index
    %get3A_3 = arith.constant 0 : index
    %get3A_4 = arith.constant 0 : index
    %get3A_5 = vector.load %arg3[%get3A_2, %get3A_3, %get3A_4] : memref<2x1000x128xf32, #tpu.memory_space<vmem>>, vector<1x1000x128xf32>
    %get3A_6 = vector.shape_cast %get3A_5 : vector<1x1000x128xf32> to vector<1000x128xf32>
    %get3A_7 = arith.constant 1 : index
    %get3A_8 = arith.constant 0 : index
    %get3A_9 = arith.constant 0 : index
    %get3A_10 = vector.load %arg3[%get3A_7, %get3A_8, %get3A_9] : memref<2x1000x128xf32, #tpu.memory_space<vmem>>, vector<1x1000x128xf32>
    %get3A_11 = vector.shape_cast %get3A_10 : vector<1x1000x128xf32> to vector<1000x128xf32>
    %add3A = arith.addf %get3A_6, %get3A_11 : vector<1000x128xf32>
    %get3A_12 = arith.constant 0 : index
    %get3A_13 = arith.constant 0 : index
    %get3A_14 = memref.load %arg1[%get3A_12, %get3A_13] : memref<1x1xf32, #tpu.memory_space<smem>>
    %add3A_15 = arith.constant 1.000000e+00 : f32
    %add3A_16 = arith.addf %add3A_15, %get3A_14 : f32
    %mul3A = vector.broadcast %add3A_16 : f32 to vector<1000x128xf32>
    %mul3A_17 = arith.mulf %mul3A, %get3A_1 : vector<1000x128xf32>
    %add3A_18 = arith.addf %mul3A_17, %add3A : vector<1000x128xf32>
    %get3A_19 = arith.constant 0 : index
    %get3A_20 = arith.constant 0 : index
    %get3A_21 = vector.load %arg4[%get3A_19, %get3A_20] : memref<128x128xf32, #tpu.memory_space<vmem>>, vector<128x128xf32>
    %dot_general3A = arith.constant dense<0.000000e+00> : vector<1000x128xf32>
    %dot_general3A_22 = tpu.matmul %add3A_18, %get3A_21, %dot_general3A {dimension_numbers = #tpu.dot_dimension_numbers<[1], [0], [0], [1], [0, 0, 1, 1], [], []>, transpose_lhs_hint = false} : vector<1000x128xf32>, vector<128x128xf32>, vector<1000x128xf32> -> vector<1000x128xf32>
    %get3A_23 = arith.constant 0 : index
    %get3A_24 = arith.constant 0 : index
    %get3A_25 = vector.load %arg5[%get3A_23, %get3A_24] : memref<1x128xf32, #tpu.memory_space<vmem>>, vector<1x128xf32>
    %add3A_26 = vector.broadcast %get3A_25 : vector<1x128xf32> to vector<1000x128xf32>
    %add3A_27 = arith.addf %dot_general3A_22, %add3A_26 : vector<1000x128xf32>
    %max3A = arith.constant 0.000000e+00 : f32
    %max3A_28 = vector.broadcast %max3A : f32 to vector<1000x128xf32>
    %max3A_29 = arith.maximumf %add3A_27, %max3A_28 : vector<1000x128xf32>
    %get3A_30 = arith.constant 0 : index
    %get3A_31 = arith.constant 0 : index
    %get3A_32 = vector.load %arg6[%get3A_30, %get3A_31] : memref<128x128xf32, #tpu.memory_space<vmem>>, vector<128x128xf32>
    %dot_general3A_33 = arith.constant dense<0.000000e+00> : vector<1000x128xf32>
    %dot_general3A_34 = tpu.matmul %max3A_29, %get3A_32, %dot_general3A_33 {dimension_numbers = #tpu.dot_dimension_numbers<[1], [0], [0], [1], [0, 0, 1, 1], [], []>, transpose_lhs_hint = false} : vector<1000x128xf32>, vector<128x128xf32>, vector<1000x128xf32> -> vector<1000x128xf32>
    %get3A_35 = arith.constant 0 : index
    %get3A_36 = arith.constant 0 : index
    %get3A_37 = vector.load %arg7[%get3A_35, %get3A_36] : memref<1x128xf32, #tpu.memory_space<vmem>>, vector<1x128xf32>
    %add3A_38 = vector.broadcast %get3A_37 : vector<1x128xf32> to vector<1000x128xf32>
    %add3A_39 = arith.addf %dot_general3A_34, %add3A_38 : vector<1000x128xf32>
    %max3A_40 = arith.constant 0.000000e+00 : f32
    %max3A_41 = vector.broadcast %max3A_40 : f32 to vector<1000x128xf32>
    %max3A_42 = arith.maximumf %add3A_39, %max3A_41 : vector<1000x128xf32>
    %swap3A = arith.constant 0 : index
    %swap3A_43 = arith.constant 0 : index
    %swap3A_44 = vector.load %arg9[%swap3A, %swap3A_43] : memref<1000x128xf32, #tpu.memory_space<vmem>>, vector<1000x128xf32>
    tpu.vector_store %arg9[%swap3A, %swap3A_43], %max3A_42 {strides = array<i32>} : memref<1000x128xf32, #tpu.memory_space<vmem>>, vector<1000x128xf32>,
    %iota3A = tpu.iota {dimensions = array<i32: 1>} : vector<1000x128xi32>
    %get3A_45 = arith.constant 0 : index
    %get3A_46 = arith.constant 0 : index
    %get3A_47 = vector.load %arg8[%get3A_45, %get3A_46] : memref<1000x1xi32, #tpu.memory_space<vmem>>, vector<1000x1xi32>
    %eq3A = vector.broadcast %get3A_47 : vector<1000x1xi32> to vector<1000x128xi32>
    %eq3A_48 = arith.cmpi eq, %eq3A, %iota3A : vector<1000x128xi32>
    %jit3A = arith.constant 1.000000e+00 : f32
    %jit3A_49 = arith.constant 0.000000e+00 : f32
    %broadcast_in_dim3A = vector.broadcast %jit3A : f32 to vector<1000x128xf32>
    %broadcast_in_dim3A_50 = vector.broadcast %jit3A_49 : f32 to vector<1000x128xf32>
    %select_n3A = arith.select %eq3A_48, %broadcast_in_dim3A, %broadcast_in_dim3A_50 : vector<1000x128xi1>, vector<1000x128xf32>
    %dot_general3A_51 = arith.constant dense<0.000000e+00> : vector<128x128xf32>
    %dot_general3A_52 = tpu.matmul %select_n3A, %max3A_42, %dot_general3A_51 {dimension_numbers = #tpu.dot_dimension_numbers<[0], [0], [1], [1], [0, 1, 1, 1], [], []>, transpose_lhs_hint = false} : vector<1000x128xf32>, vector<1000x128xf32>, vector<128x128xf32> -> vector<128x128xf32>
    %eq3A_53 = arith.constant 0 : i32
    %eq3A_54 = arith.cmpi eq, %arg0, %eq3A_53 : i32
    %convert_element_type3A = arith.extui %eq3A_54 : i1 to i32
    %cond3A = arith.constant 0 : i32
    %cond3A_55 = arith.cmpi ne, %convert_element_type3A, %cond3A : i32
    scf.if %cond3A_55 {
      %broadcast_in_dim3A_63 = arith.constant 0.000000e+00 : f32
      %broadcast_in_dim3A_64 = vector.broadcast %broadcast_in_dim3A_63 : f32 to vector<128x128xf32>
      %swap3A_65 = arith.constant 0 : index
      %swap3A_66 = arith.constant 0 : index
      %swap3A_67 = vector.load %arg10[%swap3A_65, %swap3A_66] : memref<128x128xf32, #tpu.memory_space<vmem>>, vector<128x128xf32>
      tpu.vector_store %arg10[%swap3A_65, %swap3A_66], %broadcast_in_dim3A_64 {strides = array<i32>} : memref<128x128xf32, #tpu.memory_space<vmem>>, vector<128x128xf32>,
    } else {
    }
    %get3A_56 = arith.constant 0 : index
    %get3A_57 = arith.constant 0 : index
    %get3A_58 = vector.load %arg10[%get3A_56, %get3A_57] : memref<128x128xf32, #tpu.memory_space<vmem>>, vector<128x128xf32>
    %add3A_59 = arith.addf %get3A_58, %dot_general3A_52 : vector<128x128xf32>
    %swap3A_60 = arith.constant 0 : index
    %swap3A_61 = arith.constant 0 : index
    %swap3A_62 = vector.load %arg10[%swap3A_60, %swap3A_61] : memref<128x128xf32, #tpu.memory_space<vmem>>, vector<128x128xf32>
    tpu.vector_store %arg10[%swap3A_60, %swap3A_61], %add3A_59 {strides = array<i32>} : memref<128x128xf32, #tpu.memory_space<vmem>>, vector<128x128xf32>,
    return
  }
  func.func @transform_0(%arg0: i32) -> (i32, i32) {
    %c0_i32 = arith.constant 0 : i32
    %c0_i32_0 = arith.constant 0 : i32
    %c0_i32_1 = arith.constant 0 : i32
    return %c0_i32, %c0_i32_0 : i32, i32
  }
  func.func @transform_1(%arg0: i32) -> (i32, i32) {
    %c0_i32 = arith.constant 0 : i32
    %c0_i32_0 = arith.constant 0 : i32
    return %arg0, %c0_i32 : i32, i32
  }
  func.func @transform_2(%arg0: i32) -> (i32, i32, i32) {
    %c0_i32 = arith.constant 0 : i32
    %c0_i32_0 = arith.constant 0 : i32
    %c0_i32_1 = arith.constant 0 : i32
    return %c0_i32, %arg0, %c0_i32_0 : i32, i32, i32
  }
  func.func @transform_3(%arg0: i32) -> (i32, i32) {
    %c0_i32 = arith.constant 0 : i32
    %c0_i32_0 = arith.constant 0 : i32
    %c0_i32_1 = arith.constant 0 : i32
    return %c0_i32, %c0_i32_0 : i32, i32
  }
  func.func @transform_4(%arg0: i32) -> (i32, i32) {
    %c0_i32 = arith.constant 0 : i32
    %c0_i32_0 = arith.constant 0 : i32
    %c0_i32_1 = arith.constant 0 : i32
    return %c0_i32, %c0_i32_0 : i32, i32
  }
  func.func @transform_5(%arg0: i32) -> (i32, i32) {
    %c0_i32 = arith.constant 0 : i32
    %c0_i32_0 = arith.constant 0 : i32
    %c0_i32_1 = arith.constant 0 : i32
    return %c0_i32, %c0_i32_0 : i32, i32
  }
  func.func @transform_6(%arg0: i32) -> (i32, i32) {
    %c0_i32 = arith.constant 0 : i32
    %c0_i32_0 = arith.constant 0 : i32
    %c0_i32_1 = arith.constant 0 : i32
    return %c0_i32, %c0_i32_0 : i32, i32
  }
  func.func @transform_7(%arg0: i32) -> (i32, i32) {
    %c0_i32 = arith.constant 0 : i32
    %c0_i32_0 = arith.constant 0 : i32
    return %arg0, %c0_i32 : i32, i32
  }
  func.func @transform_8(%arg0: i32) -> (i32, i32) {
    %c0_i32 = arith.constant 0 : i32
    %c0_i32_0 = arith.constant 0 : i32
    return %arg0, %c0_i32 : i32, i32
  }
  func.func @transform_9(%arg0: i32) -> (i32, i32) {
    %c0_i32 = arith.constant 0 : i32
    %c0_i32_0 = arith.constant 0 : i32
    %c0_i32_1 = arith.constant 0 : i32
    return %c0_i32, %c0_i32_0 : i32, i32
  }
}

module attributes {stable_mosaic.version = 14 : i64} {
  func.func @_mlp_body(%arg0: i32, %arg1: memref<1x1xf32, #tpu.memory_space<smem>>, %arg2: memref<1000x128xf32, #tpu.memory_space<vmem>>, %arg3: memref<2x1000x128xf32, #tpu.memory_space<vmem>>, %arg4: memref<128x128xf32, #tpu.memory_space<vmem>>, %arg5: memref<1x128xf32, #tpu.memory_space<vmem>>, %arg6: memref<128x128xf32, #tpu.memory_space<vmem>>, %arg7: memref<1x128xf32, #tpu.memory_space<vmem>>, %arg8: memref<1000x1xi32, #tpu.memory_space<vmem>>, %arg9: memref<1000x128xf32, #tpu.memory_space<vmem>>, %arg10: memref<128x128xf32, #tpu.memory_space<vmem>>) attributes {dimension_semantics = [#tpu.dimension_semantics<arbitrary>], iteration_bounds = array<i64: 10>, scalar_prefetch = 0 : i64, scratch_operands = 0 : i64, tpu.core_type = #tpu.core_type<tc>, window_params = [{transform_indices = @transform_0, window_bounds = array<i64: 1, 1>}, {transform_indices = @transform_1, window_bounds = array<i64: 1000, 128>}, {transform_indices = @transform_2, window_bounds = array<i64: 2, 1000, 128>}, {pipeline_mode = #tpu.pipeline_mode<synchronous>, transform_indices = @transform_3, window_bounds = array<i64: 128, 128>}, {pipeline_mode = #tpu.pipeline_mode<synchronous>, transform_indices = @transform_4, window_bounds = array<i64: 1, 128>}, {pipeline_mode = #tpu.pipeline_mode<synchronous>, transform_indices = @transform_5, window_bounds = array<i64: 128, 128>}, {pipeline_mode = #tpu.pipeline_mode<synchronous>, transform_indices = @transform_6, window_bounds = array<i64: 1, 128>}, {transform_indices = @transform_7, window_bounds = array<i64: 1000, 1>}, {transform_indices = @transform_8, window_bounds = array<i64: 1000, 128>}, {pipeline_mode = #tpu.pipeline_mode<synchronous>, transform_indices = @transform_9, window_bounds = array<i64: 128, 128>}]} {
    %get3A = arith.constant 0 : index
    %get3A_0 = arith.constant 0 : index
    %get3A_1 = vector.load %arg2[%get3A, %get3A_0] : memref<1000x128xf32, #tpu.memory_space<vmem>>, vector<1000x128xf32>
    %get3A_2 = arith.constant 0 : index
    %get3A_3 = arith.constant 0 : index
    %get3A_4 = arith.constant 0 : index
    %get3A_5 = vector.load %arg3[%get3A_2, %get3A_3, %get3A_4] : memref<2x1000x128xf32, #tpu.memory_space<vmem>>, vector<1x1000x128xf32>
    %get3A_6 = vector.shape_cast %get3A_5 : vector<1x1000x128xf32> to vector<1000x128xf32>
    %get3A_7 = arith.constant 1 : index
    %get3A_8 = arith.constant 0 : index
    %get3A_9 = arith.constant 0 : index
    %get3A_10 = vector.load %arg3[%get3A_7, %get3A_8, %get3A_9] : memref<2x1000x128xf32, #tpu.memory_space<vmem>>, vector<1x1000x128xf32>
    %get3A_11 = vector.shape_cast %get3A_10 : vector<1x1000x128xf32> to vector<1000x128xf32>
    %add3A = arith.addf %get3A_6, %get3A_11 : vector<1000x128xf32>
    %get3A_12 = arith.constant 0 : index
    %get3A_13 = arith.constant 0 : index
    %get3A_14 = memref.load %arg1[%get3A_12, %get3A_13] : memref<1x1xf32, #tpu.memory_space<smem>>
    %add3A_15 = arith.constant 1.000000e+00 : f32
    %add3A_16 = arith.addf %add3A_15, %get3A_14 : f32
    %mul3A = vector.broadcast %add3A_16 : f32 to vector<1000x128xf32>
    %mul3A_17 = arith.mulf %mul3A, %get3A_1 : vector<1000x128xf32>
    %add3A_18 = arith.addf %mul3A_17, %add3A : vector<1000x128xf32>
    %get3A_19 = arith.constant 0 : index
    %get3A_20 = arith.constant 0 : index
    %get3A_21 = vector.load %arg4[%get3A_19, %get3A_20] : memref<128x128xf32, #tpu.memory_space<vmem>>, vector<128x128xf32>
    %dot_general3A = arith.constant dense<0.000000e+00> : vector<1000x128xf32>
    %dot_general3A_22 = tpu.matmul %add3A_18, %get3A_21, %dot_general3A {dimension_numbers = #tpu.dot_dimension_numbers<[1], [0], [0], [1], [0, 0, 1, 1], [], []>, transpose_lhs_hint = false} : vector<1000x128xf32>, vector<128x128xf32>, vector<1000x128xf32> -> vector<1000x128xf32>
    %get3A_23 = arith.constant 0 : index
    %get3A_24 = arith.constant 0 : index
    %get3A_25 = vector.load %arg5[%get3A_23, %get3A_24] : memref<1x128xf32, #tpu.memory_space<vmem>>, vector<1x128xf32>
    %add3A_26 = vector.broadcast %get3A_25 : vector<1x128xf32> to vector<1000x128xf32>
    %add3A_27 = arith.addf %dot_general3A_22, %add3A_26 : vector<1000x128xf32>
    %max3A = arith.constant 0.000000e+00 : f32
    %max3A_28 = vector.broadcast %max3A : f32 to vector<1000x128xf32>
    %max3A_29 = arith.maximumf %add3A_27, %max3A_28 : vector<1000x128xf32>
    %get3A_30 = arith.constant 0 : index
    %get3A_31 = arith.constant 0 : index
    %get3A_32 = vector.load %arg6[%get3A_30, %get3A_31] : memref<128x128xf32, #tpu.memory_space<vmem>>, vector<128x128xf32>
    %dot_general3A_33 = arith.constant dense<0.000000e+00> : vector<1000x128xf32>
    %dot_general3A_34 = tpu.matmul %max3A_29, %get3A_32, %dot_general3A_33 {dimension_numbers = #tpu.dot_dimension_numbers<[1], [0], [0], [1], [0, 0, 1, 1], [], []>, transpose_lhs_hint = false} : vector<1000x128xf32>, vector<128x128xf32>, vector<1000x128xf32> -> vector<1000x128xf32>
    %get3A_35 = arith.constant 0 : index
    %get3A_36 = arith.constant 0 : index
    %get3A_37 = vector.load %arg7[%get3A_35, %get3A_36] : memref<1x128xf32, #tpu.memory_space<vmem>>, vector<1x128xf32>
    %add3A_38 = vector.broadcast %get3A_37 : vector<1x128xf32> to vector<1000x128xf32>
    %add3A_39 = arith.addf %dot_general3A_34, %add3A_38 : vector<1000x128xf32>
    %max3A_40 = arith.constant 0.000000e+00 : f32
    %max3A_41 = vector.broadcast %max3A_40 : f32 to vector<1000x128xf32>
    %max3A_42 = arith.maximumf %add3A_39, %max3A_41 : vector<1000x128xf32>
    %swap3A = arith.constant 0 : index
    %swap3A_43 = arith.constant 0 : index
    %swap3A_44 = vector.load %arg9[%swap3A, %swap3A_43] : memref<1000x128xf32, #tpu.memory_space<vmem>>, vector<1000x128xf32>
    tpu.vector_store %arg9[%swap3A, %swap3A_43], %max3A_42 {strides = array<i32>} : memref<1000x128xf32, #tpu.memory_space<vmem>>, vector<1000x128xf32>,
    %iota3A = tpu.iota {dimensions = array<i32: 1>} : vector<1000x128xi32>
    %get3A_45 = arith.constant 0 : index
    %get3A_46 = arith.constant 0 : index
    %get3A_47 = vector.load %arg8[%get3A_45, %get3A_46] : memref<1000x1xi32, #tpu.memory_space<vmem>>, vector<1000x1xi32>
    %eq3A = vector.broadcast %get3A_47 : vector<1000x1xi32> to vector<1000x128xi32>
    %eq3A_48 = arith.cmpi eq, %eq3A, %iota3A : vector<1000x128xi32>
    %jit3A = arith.constant 1.000000e+00 : f32
    %jit3A_49 = arith.constant 0.000000e+00 : f32
    %broadcast_in_dim3A = vector.broadcast %jit3A : f32 to vector<1000x128xf32>
    %broadcast_in_dim3A_50 = vector.broadcast %jit3A_49 : f32 to vector<1000x128xf32>
    %select_n3A = arith.select %eq3A_48, %broadcast_in_dim3A, %broadcast_in_dim3A_50 : vector<1000x128xi1>, vector<1000x128xf32>
    %dot_general3A_51 = arith.constant dense<0.000000e+00> : vector<128x128xf32>
    %dot_general3A_52 = tpu.matmul %select_n3A, %max3A_42, %dot_general3A_51 {dimension_numbers = #tpu.dot_dimension_numbers<[0], [0], [1], [1], [0, 1, 1, 1], [], []>, transpose_lhs_hint = false} : vector<1000x128xf32>, vector<1000x128xf32>, vector<128x128xf32> -> vector<128x128xf32>
    %eq3A_53 = arith.constant 0 : i32
    %eq3A_54 = arith.cmpi eq, %arg0, %eq3A_53 : i32
    %convert_element_type3A = arith.extui %eq3A_54 : i1 to i32
    %cond3A = arith.constant 0 : i32
    %cond3A_55 = arith.cmpi ne, %convert_element_type3A, %cond3A : i32
    scf.if %cond3A_55 {
      %broadcast_in_dim3A_63 = arith.constant 0.000000e+00 : f32
      %broadcast_in_dim3A_64 = vector.broadcast %broadcast_in_dim3A_63 : f32 to vector<128x128xf32>
      %swap3A_65 = arith.constant 0 : index
      %swap3A_66 = arith.constant 0 : index
      %swap3A_67 = vector.load %arg10[%swap3A_65, %swap3A_66] : memref<128x128xf32, #tpu.memory_space<vmem>>, vector<128x128xf32>
      tpu.vector_store %arg10[%swap3A_65, %swap3A_66], %broadcast_in_dim3A_64 {strides = array<i32>} : memref<128x128xf32, #tpu.memory_space<vmem>>, vector<128x128xf32>,
    } else {
    }
    %get3A_56 = arith.constant 0 : index
    %get3A_57 = arith.constant 0 : index
    %get3A_58 = vector.load %arg10[%get3A_56, %get3A_57] : memref<128x128xf32, #tpu.memory_space<vmem>>, vector<128x128xf32>
    %add3A_59 = arith.addf %get3A_58, %dot_general3A_52 : vector<128x128xf32>
    %swap3A_60 = arith.constant 0 : index
    %swap3A_61 = arith.constant 0 : index
    %swap3A_62 = vector.load %arg10[%swap3A_60, %swap3A_61] : memref<128x128xf32, #tpu.memory_space<vmem>>, vector<128x128xf32>
    tpu.vector_store %arg10[%swap3A_60, %swap3A_61], %add3A_59 {strides = array<i32>} : memref<128x128xf32, #tpu.memory_space<vmem>>, vector<128x128xf32>,
    return
  }
  func.func @transform_0(%arg0: i32) -> (i32, i32) {
    %c0_i32 = arith.constant 0 : i32
    %c0_i32_0 = arith.constant 0 : i32
    %c0_i32_1 = arith.constant 0 : i32
    return %c0_i32, %c0_i32_0 : i32, i32
  }
  func.func @transform_1(%arg0: i32) -> (i32, i32) {
    %c0_i32 = arith.constant 0 : i32
    %c0_i32_0 = arith.constant 0 : i32
    return %arg0, %c0_i32 : i32, i32
  }
  func.func @transform_2(%arg0: i32) -> (i32, i32, i32) {
    %c0_i32 = arith.constant 0 : i32
    %c0_i32_0 = arith.constant 0 : i32
    %c0_i32_1 = arith.constant 0 : i32
    return %c0_i32, %arg0, %c0_i32_0 : i32, i32, i32
  }
  func.func @transform_3(%arg0: i32) -> (i32, i32) {
    %c0_i32 = arith.constant 0 : i32
    %c0_i32_0 = arith.constant 0 : i32
    %c0_i32_1 = arith.constant 0 : i32
    return %c0_i32, %c0_i32_0 : i32, i32
  }
  func.func @transform_4(%arg0: i32) -> (i32, i32) {
    %c0_i32 = arith.constant 0 : i32
    %c0_i32_0 = arith.constant 0 : i32
    %c0_i32_1 = arith.constant 0 : i32
    return %c0_i32, %c0_i32_0 : i32, i32
  }
  func.func @transform_5(%arg0: i32) -> (i32, i32) {
    %c0_i32 = arith.constant 0 : i32
    %c0_i32_0 = arith.constant 0 : i32
    %c0_i32_1 = arith.constant 0 : i32
    return %c0_i32, %c0_i32_0 : i32, i32
  }
  func.func @transform_6(%arg0: i32) -> (i32, i32) {
    %c0_i32 = arith.constant 0 : i32
    %c0_i32_0 = arith.constant 0 : i32
    %c0_i32_1 = arith.constant 0 : i32
    return %c0_i32, %c0_i32_0 : i32, i32
  }
  func.func @transform_7(%arg0: i32) -> (i32, i32) {
    %c0_i32 = arith.constant 0 : i32
    %c0_i32_0 = arith.constant 0 : i32
    return %arg0, %c0_i32 : i32, i32
  }
  func.func @transform_8(%arg0: i32) -> (i32, i32) {
    %c0_i32 = arith.constant 0 : i32
    %c0_i32_0 = arith.constant 0 : i32
    return %arg0, %c0_i32 : i32, i32
  }
  func.func @transform_9(%arg0: i32) -> (i32, i32) {
    %c0_i32 = arith.constant 0 : i32
    %c0_i32_0 = arith.constant 0 : i32
    %c0_i32_1 = arith.constant 0 : i32
    return %c0_i32, %c0_i32_0 : i32, i32
  }
}

module attributes {stable_mosaic.version = 14 : i64} {
  func.func @_head_body(%arg0: memref<128x128xf32, #tpu.memory_space<vmem>>, %arg1: memref<128x128xf32, #tpu.memory_space<vmem>>, %arg2: memref<128x128xf32, #tpu.memory_space<vmem>>, %arg3: memref<384x128xf32, #tpu.memory_space<vmem>>, %arg4: memref<1x128xf32, #tpu.memory_space<vmem>>, %arg5: memref<128x128xf32, #tpu.memory_space<vmem>>, %arg6: memref<1x128xf32, #tpu.memory_space<vmem>>, %arg7: memref<128x128xf32, #tpu.memory_space<vmem>>) attributes {dimension_semantics = [], scalar_prefetch = 0 : i64, scratch_operands = 0 : i64, tpu.core_type = #tpu.core_type<tc>} {
    %get3A = arith.constant 0 : index
    %get3A_0 = arith.constant 0 : index
    %get3A_1 = vector.load %arg0[%get3A, %get3A_0] : memref<128x128xf32, #tpu.memory_space<vmem>>, vector<128x128xf32>
    %get3A_2 = arith.constant 0 : index
    %get3A_3 = arith.constant 0 : index
    %get3A_4 = vector.load %arg3[%get3A_2, %get3A_3] : memref<384x128xf32, #tpu.memory_space<vmem>>, vector<128x128xf32>
    %dot_general3A = arith.constant dense<0.000000e+00> : vector<128x128xf32>
    %dot_general3A_5 = tpu.matmul %get3A_1, %get3A_4, %dot_general3A {dimension_numbers = #tpu.dot_dimension_numbers<[1], [0], [0], [1], [0, 0, 1, 1], [], []>, transpose_lhs_hint = false} : vector<128x128xf32>, vector<128x128xf32>, vector<128x128xf32> -> vector<128x128xf32>
    %get3A_6 = arith.constant 0 : index
    %get3A_7 = arith.constant 0 : index
    %get3A_8 = vector.load %arg1[%get3A_6, %get3A_7] : memref<128x128xf32, #tpu.memory_space<vmem>>, vector<128x128xf32>
    %get3A_9 = arith.constant 128 : index
    %get3A_10 = arith.constant 0 : index
    %get3A_11 = vector.load %arg3[%get3A_9, %get3A_10] : memref<384x128xf32, #tpu.memory_space<vmem>>, vector<128x128xf32>
    %dot_general3A_12 = arith.constant dense<0.000000e+00> : vector<128x128xf32>
    %dot_general3A_13 = tpu.matmul %get3A_8, %get3A_11, %dot_general3A_12 {dimension_numbers = #tpu.dot_dimension_numbers<[1], [0], [0], [1], [0, 0, 1, 1], [], []>, transpose_lhs_hint = false} : vector<128x128xf32>, vector<128x128xf32>, vector<128x128xf32> -> vector<128x128xf32>
    %add3A = arith.addf %dot_general3A_5, %dot_general3A_13 : vector<128x128xf32>
    %get3A_14 = arith.constant 0 : index
    %get3A_15 = arith.constant 0 : index
    %get3A_16 = vector.load %arg2[%get3A_14, %get3A_15] : memref<128x128xf32, #tpu.memory_space<vmem>>, vector<128x128xf32>
    %get3A_17 = arith.constant 256 : index
    %get3A_18 = arith.constant 0 : index
    %get3A_19 = vector.load %arg3[%get3A_17, %get3A_18] : memref<384x128xf32, #tpu.memory_space<vmem>>, vector<128x128xf32>
    %dot_general3A_20 = arith.constant dense<0.000000e+00> : vector<128x128xf32>
    %dot_general3A_21 = tpu.matmul %get3A_16, %get3A_19, %dot_general3A_20 {dimension_numbers = #tpu.dot_dimension_numbers<[1], [0], [0], [1], [0, 0, 1, 1], [], []>, transpose_lhs_hint = false} : vector<128x128xf32>, vector<128x128xf32>, vector<128x128xf32> -> vector<128x128xf32>
    %add3A_22 = arith.addf %add3A, %dot_general3A_21 : vector<128x128xf32>
    %get3A_23 = arith.constant 0 : index
    %get3A_24 = arith.constant 0 : index
    %get3A_25 = vector.load %arg4[%get3A_23, %get3A_24] : memref<1x128xf32, #tpu.memory_space<vmem>>, vector<1x128xf32>
    %add3A_26 = vector.broadcast %get3A_25 : vector<1x128xf32> to vector<128x128xf32>
    %add3A_27 = arith.addf %add3A_22, %add3A_26 : vector<128x128xf32>
    %max3A = arith.constant 0.000000e+00 : f32
    %max3A_28 = vector.broadcast %max3A : f32 to vector<128x128xf32>
    %max3A_29 = arith.maximumf %add3A_27, %max3A_28 : vector<128x128xf32>
    %get3A_30 = arith.constant 0 : index
    %get3A_31 = arith.constant 0 : index
    %get3A_32 = vector.load %arg5[%get3A_30, %get3A_31] : memref<128x128xf32, #tpu.memory_space<vmem>>, vector<128x128xf32>
    %dot_general3A_33 = arith.constant dense<0.000000e+00> : vector<128x128xf32>
    %dot_general3A_34 = tpu.matmul %max3A_29, %get3A_32, %dot_general3A_33 {dimension_numbers = #tpu.dot_dimension_numbers<[1], [0], [0], [1], [0, 0, 1, 1], [], []>, transpose_lhs_hint = false} : vector<128x128xf32>, vector<128x128xf32>, vector<128x128xf32> -> vector<128x128xf32>
    %get3A_35 = arith.constant 0 : index
    %get3A_36 = arith.constant 0 : index
    %get3A_37 = vector.load %arg6[%get3A_35, %get3A_36] : memref<1x128xf32, #tpu.memory_space<vmem>>, vector<1x128xf32>
    %add3A_38 = vector.broadcast %get3A_37 : vector<1x128xf32> to vector<128x128xf32>
    %add3A_39 = arith.addf %dot_general3A_34, %add3A_38 : vector<128x128xf32>
    %swap3A = arith.constant 0 : index
    %swap3A_40 = arith.constant 0 : index
    %swap3A_41 = vector.load %arg7[%swap3A, %swap3A_40] : memref<128x128xf32, #tpu.memory_space<vmem>>, vector<128x128xf32>
    tpu.vector_store %arg7[%swap3A, %swap3A_40], %add3A_39 {strides = array<i32>} : memref<128x128xf32, #tpu.memory_space<vmem>>, vector<128x128xf32>,
    return
  }
}

</mosaic_0001>

<sc_bundles>
// kernel: kernel.12.cloned.1.call-start
scs
__scs_entry_jumppad:
0x0: {  	(pc) =	sbr.rel $0x88, $3  }
0x1: {  	(tag) =	ssettag $0x0;
	lr =	simm.s32 $0x1  }
0x2: {  	[smem:$0x3F95] =	sst lr;
	_ =	strace $0xD0000000  }
0x3: {  	_ = 	snop  }
0x4: {  	_ = 	snop  }
0x5: {  	_ = 	snop  }
0x6: {  	_ = 	snop  }
0x7: {  	_ = 	snop  }
__scs_overlays_trampoline_lowered:
0x8: {  	[smem:$0x3FA4] =	sst s0  }
0x9: {  	[smem:$0x3FA5] =	sst s1  }
0xa: {  	[smem:$0x3FA6] =	sst s2  }
0xb: {  	[smem:$0x3FA7] =	sst s3  }
0xc: {  	[smem:$0x3FA8] =	sst s4  }
0xd: {  	[smem:$0x3FA9] =	sst s5  }
0xe: {  	[smem:$0x3FAA] =	sst s6  }
0xf: {  	[smem:$0x3FAB] =	sst s7  }
0x10: {  	[smem:$0x3FAC] =	sst s8  }
0x11: {  	[smem:$0x3FAD] =	sst s9;
	s0 =	simm.s32 @!p0 $0x0  }
0x12: {  	s1 =	sld [smem:$0x3F93];
	s0 =	simm.s32 @p0 $0x1  }
0x13: {  	[smem:$0x3FAE] =	sst s0;
	s0 =	simm.s32 @!p1 $0x0  }
0x14: {  	s2 =	sld [smem:$0x3F92];
	s0 =	simm.s32 @p1 $0x1  }
0x15: {  	[smem:$0x3FAF] =	sst s0;
	s0 =	simm.s32 @!p2 $0x0  }
0x16: {  	s3 =	sld [smem:$0x3FDB];
	s0 =	simm.s32 @p2 $0x1  }
0x17: {  	s4 =	simm.s32 $0x1BF5;
	[smem:$0x3FB1] =	sst s0  }
0x18: {  	s0 =	sld [smem:$0x3F94];
	_ =	swait.ge [sflag:s4], $0x0  }
0x19: {  	s7 =	sld [smem:$0x3F95]  }
0x1a: {  	s8 =	sadd.s32 $0xFFFFE003, lr  }
0x1b: {  	s9 =	sadd.s32 $0xFFFFFEF7, lr;
	s5 =	simm.s32 $0xFFFFFFFF;
	p2 =	slt.u32 s8, $0xFFFFF086  }
0x1c: {  	p1 =	slt.u32 s9, $0xF7A;
	s5 =	simm.s32 @!p2 $0x0  }
0x1d: {  	s5 =	simm.s32 @p1 $0x1;
	p0 =	seq.s32 s7, s2  }
0x1e: {  	s7 =	smul.u32 @!p0 $0xF7A, s2;
	p2 =	seq.s32 @!p0 s5, $0x0  }
0x1f: {  	s9 =	smul.u32 $0xF7A, s1;
	s8 =	simm.s32 @!p0 $0x1BF5;
	p2 =	por !p2, p0  }
0x20: {  	[sflag:s8] =	ssyncset.s32 @!p0 $0xFFFFF086;
	s6 =	sadd.s32 @!p0 s3, s7;
	s7 =	simm.s32 @!p0 $0x108  }
0x21: {  	s3 =	sadd.s32 s3, s9;
	s6 =	sadd.s32 @!p0 $0x88, s6;
	s7 =	simm.s32 @p2 $0x1082  }
0x22: {  	[simem:s7], [sflag:s8] =	dma.local @!p0 [hbm:s6], $0xF7A  }
0x23: {  	s9 =	sor.u32 $0xD0000000, s2;
	s6 =	simm.s32 $0x108;
	_ =	swait.ge @!p0 [sflag:s8], $0x0  }
0x24: {  	s3 =	sadd.s32 $0x88, s3;
	s6 =	simm.s32 @!p1 $0x1082;
	[sflag:s4] =	ssyncset.s32 $0xFFFFF086  }
0x25: {  	[simem:s6], [sflag:s4] =	dma.local [hbm:s3], $0xF7A  }
0x26: {  	[smem:$0x3F95] =	sst s1;
	(tag) =	ssettag s2;
	_ =	strace s9  }
0x27: {  	s1 =	sld [smem:$0x3FA5]  }
0x28: {  	s2 =	sld [smem:$0x3FA6]  }
0x29: {  	s4 =	sld [smem:$0x3FA8]  }
0x2a: {  	p0 =	seq.s32 s5, $0x0;
	s5 =	sld [smem:$0x3FA9]  }
0x2b: {  	s6 =	sld [smem:$0x3FAA]  }
0x2c: {  	s7 =	sld [smem:$0x3FAB]  }
0x2d: {  	s3 =	simm.s32 $0x108;
	s8 =	sld [smem:$0x3FAC]  }
0x2e: {  	s3 =	simm.s32 @!p0 $0x1082;
	s9 =	sld [smem:$0x3FAD]  }
0x2f: {  	lr =	sadd.s32 s0, s3;
	s0 =	sld [smem:$0x3FA4]  }
0x30: {  	s3 =	sld [smem:$0x3FA7]  }
0x31: {  	[smem:$0x3FB0] =	sst s10  }
0x32: {  	s10 =	sld [smem:$0x3FAE];
	_ =	sdelay $0x3  }
0x33: {  	p0 =	seq.s32 s10, $0x1;
	s10 =	sld [smem:$0x3FB0];
	_ =	sdelay $0x3  }
0x34: {  	[smem:$0x3FB0] =	sst s10  }
0x35: {  	s10 =	sld [smem:$0x3FAF];
	_ =	sdelay $0x3  }
0x36: {  	p1 =	seq.s32 s10, $0x1;
	s10 =	sld [smem:$0x3FB0];
	_ =	sdelay $0x3  }
0x37: {  	[smem:$0x3FB0] =	sst s10  }
0x38: {  	s10 =	sld [smem:$0x3FB1]  }
0x39: {  	_ = 	snop;
	(pc) =	sbr.ind lr, $3  }
0x3a: {  	_ = 	snop  }
0x3b: {  	_ = 	snop  }
0x3c: {  	p2 =	seq.s32 s10, $0x1;
	s10 =	sld [smem:$0x3FB0]  }
0x3d: {  	_ =	shalt  }
0x3e: {  	_ =	shalt  }
0x3f: {  	_ =	shalt  }
0x40: {  	_ =	shalt  }
0x41: {  	_ =	shalt  }
0x42: {  	_ =	shalt  }
0x43: {  	_ =	shalt  }
0x44: {  	_ =	shalt  }
0x45: {  	_ =	shalt  }
0x46: {  	_ =	shalt  }
0x47: {  	_ =	shalt  }
0x48: {  	_ =	shalt  }
0x49: {  	_ =	shalt  }
0x4a: {  	_ =	shalt  }
0x4b: {  	_ =	shalt  }
0x4c: {  	_ =	shalt  }
0x4d: {  	_ =	shalt  }
0x4e: {  	_ =	shalt  }
0x4f: {  	_ =	shalt  }
0x50: {  	_ =	shalt  }
0x51: {  	_ =	shalt  }
0x52: {  	_ =	shalt  }
0x53: {  	_ =	shalt  }
0x54: {  	_ =	shalt  }
0x55: {  	_ =	shalt  }
0x56: {  	_ =	shalt  }
0x57: {  	_ =	shalt  }
0x58: {  	_ =	shalt  }
0x59: {  	_ =	shalt  }
0x5a: {  	_ =	shalt  }
0x5b: {  	_ =	shalt  }
0x5c: {  	_ =	shalt  }
0x5d: {  	_ =	shalt  }
0x5e: {  	_ =	shalt  }
0x5f: {  	_ =	shalt  }
0x60: {  	_ =	shalt  }
0x61: {  	_ =	shalt  }
0x62: {  	_ =	shalt  }
0x63: {  	_ =	shalt  }
0x64: {  	_ =	shalt  }
0x65: {  	_ =	shalt  }
0x66: {  	_ =	shalt  }
0x67: {  	_ =	shalt  }
0x68: {  	_ =	shalt  }
0x69: {  	_ =	shalt  }
0x6a: {  	_ =	shalt  }
0x6b: {  	_ =	shalt  }
0x6c: {  	_ =	shalt  }
0x6d: {  	_ =	shalt  }
0x6e: {  	_ =	shalt  }
0x6f: {  	_ =	shalt  }
0x70: {  	_ =	shalt  }
0x71: {  	_ =	shalt  }
0x72: {  	_ =	shalt  }
0x73: {  	_ =	shalt  }
0x74: {  	_ =	shalt  }
0x75: {  	_ =	shalt  }
0x76: {  	_ =	shalt  }
0x77: {  	_ =	shalt  }
0x78: {  	_ =	shalt  }
0x79: {  	_ =	shalt  }
0x7a: {  	_ =	shalt  }
0x7b: {  	_ =	shalt  }
0x7c: {  	_ =	shalt  }
0x7d: {  	_ =	shalt  }
0x7e: {  	_ =	shalt  }
0x7f: {  	_ =	shalt  }
0x80: {  	_ =	shalt  }
0x81: {  	_ =	shalt  }
0x82: {  	_ =	shalt  }
0x83: {  	_ =	shalt  }
0x84: {  	_ =	shalt  }
0x85: {  	_ =	shalt  }
0x86: {  	_ =	shalt  }
0x87: {  	_ =	shalt  }
.Lfunc_end0:
.L_simem_size_0:
called_computation.1_lowered:
.L_overlay_start_0:
0x88: {  	s2 =	sld [smem:$0x3FD9]  }
0x89: {  	s3 =	sld [smem:$0x3FFE];
	_ =	sdelay $0x1  }
0x8a: {  	s1 =	srdreg.scid  }
0x8b: {  	s0 =	sand.u32 $0x1, s1  }
0x8c: {  	s16 =	sshll.u32 s0, $0xA;
	s2 =	sadd.s32 s3, s2  }
0x8d: {  	s2 =	sadd.s32 s2, s16  }
0x8e: {  	[smem:$0x3FBC] =	sst s2  }
0x8f: {  	_ = 	snop  }
0x90: {  	(tm) =	ssettm $0x1  }
0x91: {  	s17 =	sld [smem:$0x3FFB];
	_ =	sdelay $0x3  }
0x92: {  	_ =	strace s17  }
0x93: {  	s2 =	sld [smem:$0x3FFC];
	_ =	sdelay $0x3  }
0x94: {  	_ =	strace s2  }
0x95: {  	s2 =	sld [smem:$0x3FFD];
	_ =	sdelay $0x3  }
0x96: {  	_ =	strace s2  }
0x97: {  	_ =	strace $0x8FFFFFFF  }
0x98: {  	s18 =	sld [smem:$0x3FDB];
	_ =	sdelay $0x1  }
0x99: {  	s19 =	simm.s32 $_scs_section_size  }
0x9a: {  	s4 =	simm.s32 $_size__tile_overlayer_lowered;
	s5 =	simm.s32 $_tile_overlayer_lowered  }
0x9b: {  	s22 =	simm.s32 $0x1BFF;
	s21 =	sshll.u32 s5, $0x1;
	s2 =	sadd.s32 s19, s18  }
0x9c: {  	s6 =	simm.s32 $0x0;
	s20 =	sshll.u32 s4, $0x1;
	s4 =	sadd.s32 s21, s2  }
0x9d: {  	[timem:s6], [sflag:s22] =	dma.local [hbm:s4], s20  }
0x9e: {  	_ =	swait.ge [sflag:s22], s20  }
0x9f: {  	s3 =	ssub.s32 $0x0, s20;
	[sflag:s22] =	ssyncset.done $0x0  }
0xa0: {  	[sflag:s22] =	ssyncadd.s32 s3;
	_ =	sdelay $0x1  }
0xa1: {  	s23 =	simm.s32 $0x1B8B  }
0xa2: {  	_ =	swait.ge [sflag:s23], $0x1  }
0xa3: {  	[sflag:s23] =	ssyncset.done $0x0  }
0xa4: {  	s25 =	simm.s32 $0x1B8E;
	s24 =	sld [smem:$0x3FFE];
	[sflag:s23] =	ssyncadd.s32 $0xFFFFFFFF  }
0xa5: {  	s26 =	simm.s32 $execute0_lowered;
	[smem:$0x3FD2] =	sst s25  }
0xa6: {  	s4 =	sshll.u32 s26, $0x1;
	_ =	strace $0x80000049;
	[dreg:$0x1] =	wrdreg $0xFFFFFFFF  }
0xa7: {  	s28 =	simm.s32 $_size_execute0_lowered;
	s2 =	sadd.s32 s2, s4;
	[dreg:$0x0] =	wrdreg $0x0  }
0xa8: {  	s4 =	sshll.u32 s28, $0x1;
	[dreg:$0x2] =	wrdreg s2  }
0xa9: {  	[dreg:$0x3] =	wrdreg s4  }
0xaa: {  	[dreg:$0x4] =	wrdreg $0xC0  }
0xab: {  	_ =	task [dreg:s6], $0x5FFFF  }
0xac: {  	[dreg:$0x1] =	wrdreg $0xFFFFFFFF  }
0xad: {  	[dreg:$0x0] =	wrdreg $0x60  }
0xae: {  	[dreg:$0x2] =	wrdreg s24  }
0xaf: {  	[dreg:$0x3] =	wrdreg $0x41000  }
0xb0: {  	[dreg:$0x4] =	wrdreg $0x9  }
0xb1: {  	_ =	task.clear_ibuf [dreg:s6], $0x5FFFF;
	_ =	strace $0x90000049  }
0xb2: {  	s29 =	simm.s32 $0x9;
	_ =	strace $0x8000004B  }
0xb3: {  	_ =	swait.ge [sflag:s29], $0x1  }
0xb4: {  	[sflag:s29] =	ssyncadd.s32 $0xFFFFFFFF  }
0xb5: {  	_ =	strace $0x9000004B  }
0xb6: {  	_ =	sfence  }
0xb7: {  	s30 =	sld [smem:$0x0];
	_ =	sdelay $0x2  }
0xb8: {  	s31 =	sshll.u32 s1, $0xD;
	s1 =	sshrl.u32 s1, $0x2  }
0xb9: {  	s3 =	sand.u32 $0x4000, s31;
	s1 =	sadd.s32 s1, s30  }
0xba: {  	s0 =	sor.u32 s3, s0;
	s1 =	sshll.u32 s1, $0x11  }
0xbb: {  	s0 =	sor.u32 s1, s0  }
0xbc: {  	s0 =	sadd.s32 $0x8F2B, s0  }
0xbd: {  	[sflag:s0] =	ssyncadd.remote.s32 $0x1  }
0xbe: {  	_ =	sfence.sel $0xFFFF  }
0xbf: {  	[dreg:$0x0] =	wrdreg $0xFFFFFFFF;
	(pc) =	sbr.abs _section_cstart, $3  }
0xc0: {  	[dreg:$0x1] =	wrdreg $0xFFFFFFFF  }
0xc1: {  	_ =	task.clear_ibuf [dreg:s6], $0x2FFFF;
	_ =	strace $0x9FFFFFFF  }
0xc2: {  	(tm) =	ssettm $0x7FFFFFFF  }
0xc3: {  	_ =	shalt  }
tec
execute0_lowered:
.L_overlay_start_1:
0x0: {  	(tag) =	ssettag $0x1  }
0x1: {  	s5 =	rddreg [dreg:$0x0]  }
0x2: {  	s1 =	rddreg [dreg:$0x1]  }
0x3: {  	s0 =	rddreg [dreg:$0x2];
	s2 =	simm.s32 $0x0;
	s3 =	srdreg.scid  }
0x4: {  	s20 =	simm.s32 $0x2;
	[smem:$0x7FF] =	sst s2;
	s15 =	sand.u32 $0x1, s3  }
0x5: {  	s4 =	sadd.s32 $0x17000, s5;
	s3 =	stileid.u32;
	s7 =	smul.u32 $0x138800, s15  }
0x6: {  	s10 =	sadd.s32 $0x65600, s5;
	s22 =	sadd.s32 $0x138000, s1;
	s9 =	smul.u32 $0x13800, s3  }
0x7: {  	_ =	strace $0x8000004A;
	s6 =	sshll.u32 s3, $0x5;
	s29 =	smul.u32 $0x4E000, s3  }
0x8: {  	s8 =	ssub.s32 $0x2, s15;
	s30 =	smul.u32 $0xA000, s3;
	s19 =	sor.u32 $0x70, s3  }
0x9: {  	s18 =	sshll.u32 s15, $0x4;
	p1 =	sne.s32 s3, $0xF;
	s16 =	sadd.s32 s6, s5  }
0xa: {  	s26 =	sshrl.u32 s8, $0x1;
	s5 =	sshll.u32 s3, $0x1;
	s17 =	smul.u32 $0xA000, s19  }
0xb: {  	p0 =	sgt.u32 s19, $0x7C;
	s19 =	simm.s32 $0x100;
	s22 =	sshrl.u32 @!p1 s22, $0x3  }
0xc: {  	s11 =	ssub.s32 s8, s26;
	s28 =	sadd.s32 s9, s7;
	s8 =	sshrl.u32 s29, $0x2  }
0xd: {  	s7 =	sshrl.u32 s7, $0x3;
	s31 =	sshrl.u32 s30, $0x2;
	s18 =	sadd.s32 s18, s16  }
0xe: {  	s6 =	sshrl.u32 s28, $0x3;
	s21 =	sadd.s32 s8, s1;
	s7 =	sadd.s32 s10, s7  }
0xf: {  	s8 =	sadd.s32 s31, s1;
	s9 =	smax.u32 s11, $0x1;
	s17 =	sshrl.u32 s17, $0x2  }
0x10: {  	s6 =	sadd.s32 s10, s6;
	s7 =	sadd.s32 $0x27000, s7;
	s10 =	sadd.s32 $0x28000, s8  }
0x11: {  	s11 =	sadd.s32 $0x50000, s8;
	s12 =	sadd.s32 $0x78000, s8;
	s13 =	sadd.s32 $0xA0000, s8  }
0x12: {  	s14 =	sadd.s32 $0xC8000, s8;
	s15 =	sadd.s32 $0xF0000, s8;
	s16 =	sadd.s32 s17, s1  }
0x13: {  	v0 =	vimm.f32 $0.0e+00;
	s17 =	sadd.s32 $0x3400, s18;
	s18 =	sadd.s32 $0xD200, s18;
	s21 =	sshrl.u32 s21, $0x3  }
.LBB2_1:
0x14: {  	s23 =	simm.s32 $0x0;
	s24 =	simm.s32 $0x200  }
.LBB2_2:
0x15: {  	p2 =	sne.s32 s24, $0xFE00;
	[tilespmem:s23+$0x170] =	vst v0  }
0x16: {  	[tilespmem:s23+$0x100] =	vst v0  }
0x17: {  	[tilespmem:s23+$0x110] =	vst v0  }
.Ltmp0:
0x18: {  	[tilespmem:s23+$0x120] =	vst v0;
	(pc) =	sbr.rel @p2 .LBB2_2-.Ltmp0, $4  }
0x19: {  	[tilespmem:s23+$0x130] =	vst v0  }
0x1a: {  	[tilespmem:s23+$0x140] =	vst v0  }
0x1b: {  	[tilespmem:s23+$0x150] =	vst v0  }
0x1c: {  	[tilespmem:s23+$0x160] =	vst v0;
	s23 =	sshra.s32 s24, $0x2;
	s24 =	sadd.s32 $0x200, s24  }
0x1d: {  	[tilespmem:s23+$0x170] =	vst v0  }
0x1e: {  	[tilespmem:s23+$0x100] =	vst v0  }
0x1f: {  	[tilespmem:s23+$0x110] =	vst v0  }
0x20: {  	[tilespmem:s23+$0x120] =	vst v0  }
0x21: {  	[tilespmem:s23+$0x130] =	vst v0  }
0x22: {  	[tilespmem:s23+$0x140] =	vst v0  }
0x23: {  	[tilespmem:s23+$0x150] =	vst v0  }
0x24: {  	[tilespmem:s23+$0x160] =	vst v0  }
0x25: {  	[spmem:s8] =	stream.linear.scatter [tilespmem:s19], [sflag:$0x2], $0x2800, $0x38;
	[tilespmem:$0x17980] =	vst v63  }
0x26: {  	_ =	swait.ge [sflag:s20], $0x2800  }
0x27: {  	[sflag:s20] =	ssyncset.done $0x0  }
0x28: {  	[sflag:s20] =	ssyncadd.s32 $0xFFFFD800  }
0x29: {  	[spmem:s10] =	stream.linear.scatter [tilespmem:s19], [sflag:$0x2], $0x2800, $0x38;
	[tilespmem:$0x17980] =	vst v63  }
0x2a: {  	_ =	swait.ge [sflag:s20], $0x2800  }
0x2b: {  	[sflag:s20] =	ssyncset.done $0x0  }
0x2c: {  	[sflag:s20] =	ssyncadd.s32 $0xFFFFD800  }
0x2d: {  	[spmem:s11] =	stream.linear.scatter [tilespmem:s19], [sflag:$0x2], $0x2800, $0x38;
	[tilespmem:$0x17980] =	vst v63  }
0x2e: {  	_ =	swait.ge [sflag:s20], $0x2800  }
0x2f: {  	[sflag:s20] =	ssyncset.done $0x0  }
0x30: {  	[sflag:s20] =	ssyncadd.s32 $0xFFFFD800  }
0x31: {  	[spmem:s12] =	stream.linear.scatter [tilespmem:s19], [sflag:$0x2], $0x2800, $0x38;
	[tilespmem:$0x17980] =	vst v63  }
0x32: {  	_ =	swait.ge [sflag:s20], $0x2800  }
0x33: {  	[sflag:s20] =	ssyncset.done $0x0  }
0x34: {  	[sflag:s20] =	ssyncadd.s32 $0xFFFFD800  }
0x35: {  	[spmem:s13] =	stream.linear.scatter [tilespmem:s19], [sflag:$0x2], $0x2800, $0x38;
	[tilespmem:$0x17980] =	vst v63  }
0x36: {  	_ =	swait.ge [sflag:s20], $0x2800  }
0x37: {  	[sflag:s20] =	ssyncset.done $0x0  }
0x38: {  	[sflag:s20] =	ssyncadd.s32 $0xFFFFD800  }
0x39: {  	[spmem:s14] =	stream.linear.scatter [tilespmem:s19], [sflag:$0x2], $0x2800, $0x38;
	[tilespmem:$0x17980] =	vst v63  }
0x3a: {  	_ =	swait.ge [sflag:s20], $0x2800  }
0x3b: {  	[sflag:s20] =	ssyncset.done $0x0  }
0x3c: {  	[sflag:s20] =	ssyncadd.s32 $0xFFFFD800  }
0x3d: {  	[spmem:s15] =	stream.linear.scatter [tilespmem:s19], [sflag:$0x2], $0x2800, $0x38;
	[tilespmem:$0x17980] =	vst v63  }
0x3e: {  	_ =	swait.ge [sflag:s20], $0x2800  }
0x3f: {  	[sflag:s20] =	ssyncset.done $0x0  }
0x40: {  	s23 =	simm.s32 @!p0 $0x100;
	[sflag:s20] =	ssyncadd.s32 $0xFFFFD800  }
0x41: {  	[spmem:s16] =	stream.linear.scatter @!p0 [tilespmem:s23], [sflag:$0x2], $0x2800, $0x38;
	[tilespmem:$0x17980] =	vst v63  }
0x42: {  	s23 =	simm.s32 @!p0 $0x2  }
0x43: {  	_ =	swait.ge @!p0 [sflag:s23], $0x2800  }
0x44: {  	p2 =	sgt.u32 s5, $0x9C3;
	[sflag:s23] =	ssyncset.done @!p0 $0x0  }
0x45: {  	s24 =	simm.s32 @!p2 $0x0;
	[sflag:s23] =	ssyncadd.s32 @!p0 $0xFFFFD800  }
0x46: {  	s25 =	simm.s32 @!p2 $0x3;
	s23 =	sadd.s32 @!p2 $0x0, s18;
	[bflag:$0x0] =	sbarrier.arrive $0xFFFF  }
0x47: {  	[tilespmem:s24], [sflag:$0x3] =	stream.linear.gather @!p2 [hbm4b:s23+s24], $0x80, $0x38;
	[tilespmem:$0x17980] =	vst v63  }
0x48: {  	_ =	swait.ge @!p2 [sflag:s25], $0x80;
	p2 =	por p2, p2  }
0x49: {  	[sflag:s25] =	ssyncset.done @!p2 $0x0  }
0x4a: {  	s23 =	sadd.s32 @!p2 $0x0, s17;
	s26 =	simm.s32 @!p2 $0x80;
	[sflag:s25] =	ssyncadd.s32 @!p2 $0xFFFFFF80  }
0x4b: {  	[tilespmem:s26], [sflag:$0x3] =	stream.linear.gather @!p2 [hbm4b:s23+s24], $0x80, $0x38;
	[tilespmem:$0x17980] =	vst v63  }
0x4c: {  	_ =	swait.ge @!p2 [sflag:s25], $0x80  }
0x4d: {  	[sflag:s25] =	ssyncset.done @!p2 $0x0  }
0x4e: {  	s23 =	simm.s32 @!p2 $0x100;
	[sflag:s25] =	ssyncadd.s32 @!p2 $0xFFFFFF80;
	s25 =	simm.s32 @!p2 $0x1  }
0x4f: {  	[tilespmem:s23], [sflag:$0x1] =	stream.indirect.gather @!p2 [hbm4b:s4+s26], $0x80, s24, s26, $0xb8;
	[tilespmem:$0x17980] =	vst v63  }
0x50: {  	_ =	swait.ge @!p2 [sflag:s25], $0x4000  }
0x51: {  	[sflag:s25] =	ssyncset.done @!p2 $0x0  }
0x52: {  	s24 =	sadd.s32 $0x20, s5;
	[sflag:s25] =	ssyncadd.s32 @!p2 $0xFFFFC000  }
0x53: {  	[spmem:s1] =	stream.indirect.scatter.add.f32 @!p2 [tilespmem:s23], [sflag:$0x2], $0x80, s26, s26, $0xb8;
	[tilespmem:$0x17980] =	vst v63  }
0x54: {  	p4 =	sgt.u32 s24, $0x9C3;
	s26 =	simm.s32 @!p2 $0x2  }
0x55: {  	s25 =	simm.s32 $0x400;
	s23 =	simm.s32 $0x200;
	_ =	swait.ge @!p2 [sflag:s26], $0x4000  }
.LBB2_4:
0x56: {  	s28 =	sadd.s32 @!p4 s23, s18  }
0x57: {  	s29 =	simm.s32 @!p4 $0x0;
	[sflag:s26] =	ssyncset.done @!p2 $0x0;
	s30 =	smov.u32 s25  }
0x58: {  	s25 =	sadd.s32 $0x200, s25;
	s31 =	simm.s32 @!p4 $0x3;
	[sflag:s26] =	ssyncadd.s32 @!p2 $0xFFFFC000  }
0x59: {  	[tilespmem:s29], [sflag:$0x3] =	stream.linear.gather @!p4 [hbm4b:s28+s29], $0x80, $0x38;
	[tilespmem:$0x17980] =	vst v63  }
0x5a: {  	p3 =	sne.s32 s25, $0x9E00;
	p2 =	por p4, p4;
	_ =	swait.ge @!p4 [sflag:s31], $0x80  }
0x5b: {  	[sflag:s31] =	ssyncset.done @!p2 $0x0  }
0x5c: {  	s23 =	sadd.s32 @!p2 s23, s17;
	s28 =	simm.s32 @!p2 $0x80;
	[sflag:s31] =	ssyncadd.s32 @!p2 $0xFFFFFF80  }
0x5d: {  	[tilespmem:s28], [sflag:$0x3] =	stream.linear.gather @!p2 [hbm4b:s23+s29], $0x80, $0x38;
	[tilespmem:$0x17980] =	vst v63  }
0x5e: {  	s23 =	smov.u32 s30;
	_ =	swait.ge @!p2 [sflag:s31], $0x80  }
0x5f: {  	[sflag:s31] =	ssyncset.done @!p2 $0x0  }
0x60: {  	s26 =	simm.s32 @!p2 $0x1;
	s30 =	simm.s32 @!p2 $0x100;
	[sflag:s31] =	ssyncadd.s32 @!p2 $0xFFFFFF80  }
0x61: {  	[tilespmem:s30], [sflag:$0x1] =	stream.indirect.gather @!p2 [hbm4b:s4+s28], $0x80, s29, s28, $0xb8;
	[tilespmem:$0x17980] =	vst v63  }
.Ltmp1:
0x62: {  	_ =	swait.ge @!p2 [sflag:s26], $0x4000;
	(pc) =	sbr.rel @p3 .LBB2_4-.Ltmp1, $4  }
0x63: {  	[sflag:s26] =	ssyncset.done @!p2 $0x0  }
0x64: {  	s24 =	sadd.s32 $0x20, s24;
	[sflag:s26] =	ssyncadd.s32 @!p2 $0xFFFFC000;
	s26 =	simm.s32 @!p2 $0x2  }
0x65: {  	[spmem:s1] =	stream.indirect.scatter.add.f32 @!p2 [tilespmem:s30], [sflag:$0x2], $0x80, s28, s28, $0xb8;
	[tilespmem:$0x17980] =	vst v63  }
0x66: {  	p4 =	sgt.u32 s24, $0x9C3;
	_ =	swait.ge @!p2 [sflag:s26], $0x4000  }
0x67: {  	s24 =	sadd.s32 @!p4 s23, s18;
	[sflag:s26] =	ssyncset.done @!p2 $0x0  }
0x68: {  	s25 =	simm.s32 @!p4 $0x0;
	s28 =	simm.s32 @!p4 $0x3;
	[sflag:s26] =	ssyncadd.s32 @!p2 $0xFFFFC000  }
0x69: {  	[tilespmem:s25], [sflag:$0x3] =	stream.linear.gather @!p4 [hbm4b:s24+s25], $0x80, $0x38;
	[tilespmem:$0x17980] =	vst v63  }
0x6a: {  	p2 =	por p4, p4;
	_ =	swait.ge @!p4 [sflag:s28], $0x80  }
0x6b: {  	[sflag:s28] =	ssyncset.done @!p2 $0x0  }
0x6c: {  	s23 =	sadd.s32 @!p2 s23, s17;
	s24 =	simm.s32 @!p2 $0x80;
	[sflag:s28] =	ssyncadd.s32 @!p2 $0xFFFFFF80  }
0x6d: {  	[tilespmem:s24], [sflag:$0x3] =	stream.linear.gather @!p2 [hbm4b:s23+s25], $0x80, $0x38;
	[tilespmem:$0x17980] =	vst v63  }
0x6e: {  	_ =	swait.ge @!p2 [sflag:s28], $0x80  }
0x6f: {  	[sflag:s28] =	ssyncset.done @!p2 $0x0  }
0x70: {  	s26 =	simm.s32 @!p2 $0x1;
	s23 =	simm.s32 @!p2 $0x100;
	[sflag:s28] =	ssyncadd.s32 @!p2 $0xFFFFFF80  }
0x71: {  	[tilespmem:s23], [sflag:$0x1] =	stream.indirect.gather @!p2 [hbm4b:s4+s24], $0x80, s25, s24, $0xb8;
	[tilespmem:$0x17980] =	vst v63  }
0x72: {  	_ =	swait.ge @!p2 [sflag:s26], $0x4000  }
0x73: {  	[sflag:s26] =	ssyncset.done @!p2 $0x0  }
0x74: {  	s25 =	simm.s32 @!p2 $0x2;
	[sflag:s26] =	ssyncadd.s32 @!p2 $0xFFFFC000  }
0x75: {  	[spmem:s1] =	stream.indirect.scatter.add.f32 @!p2 [tilespmem:s23], [sflag:$0x2], $0x80, s24, s24, $0xb8;
	[tilespmem:$0x17980] =	vst v63  }
0x76: {  	_ =	swait.ge @!p2 [sflag:s25], $0x4000  }
0x77: {  	[sflag:s25] =	ssyncset.done @!p2 $0x0  }
0x78: {  	s31 =	sshll.u32 s3, $0x6;
	[sflag:s25] =	ssyncadd.s32 @!p2 $0xFFFFC000  }
0x79: {  	s23 =	sor.u32 $0x1C02, s31;
	[bflag:$0x0] =	sbarrier.arrive $0xFFFF  }
0x7a: {  	[hbm:s6], [sflag:s23] =	dma.local [spmem:s21], $0x2700  }
0x7b: {  	_ =	swait.ge [sflag:s20], $0x2700  }
0x7c: {  	s2 =	sadd.s32 $0x1, s2;
	[sflag:s20] =	ssyncset.done $0x0  }
0x7d: {  	p2 =	sne.s32 s2, s9;
	[sflag:s20] =	ssyncadd.s32 $0xFFFFD900  }
0x7e: {  	[hbm:s7], [sflag:s23] =	dma.local @!p1 [spmem:s22], $0x100  }
.Ltmp2:
0x7f: {  	_ = 	snop;
	(pc) =	sbr.rel @p2 .LBB2_1-.Ltmp2, $4  }
0x80: {  	s23 =	simm.s32 @!p1 $0x2  }
0x81: {  	_ =	swait.ge @!p1 [sflag:s23], $0x100  }
0x82: {  	[sflag:s23] =	ssyncset.done @!p1 $0x0  }
0x83: {  	[sflag:s23] =	ssyncadd.s32 @!p1 $0xFFFFFF00  }
0x84: {  	_ =	sfence.sel $0x180000  }
0x85: {  	[bflag:$0x0] =	sbarrier.arrive $0xFFFF  }
0x86: {  	p0 =	sne.s32 s3, $0x0;
	_ =	strace $0x9000004A  }
0x87: {  	s0 =	sadd.s32 @!p0 $0x100000, s0;
	[bflag:$0x2] =	sbarrier.arrive $0xFFFF  }
0x88: {  	[sflag:s0] =	ssyncadd.tile.s32 @!p0 $0x1;
	_ =	shalt  }
.Lfunc_end2:
_tile_overlayer_lowered:
.L_overlay_start_2:
0x89: {  	(tag) =	ssettag $0x2  }
0x8a: {  	s0 =	rddreg [dreg:$0x0];
	s2 =	stileid.u32  }
0x8b: {  	s1 =	rddreg [dreg:$0x1];
	p0 =	sne.s32 s2, $0x0  }
0x8c: {  	s3 =	rddreg [dreg:$0x2];
	[bflag:$0x3] =	sbarrier.arrive $0xFFFF;
	s2 =	simm.s32 @!p0 $0x1C02  }
0x8d: {  	[timem:s3], [sflag:s2] =	dma.local @!p0 [hbm:s0], s1  }
0x8e: {  	s0 =	simm.s32 @!p0 $0x2  }
0x8f: {  	_ =	swait.ge @!p0 [sflag:s0], s1  }
0x90: {  	s1 =	ssub.s32 @!p0 $0x0, s1;
	[sflag:s0] =	ssyncset.done @!p0 $0x0  }
0x91: {  	[sflag:s0] =	ssyncadd.s32 @!p0 s1  }
0x92: {  	[bflag:$0x3] =	sbarrier.arrive $0xFFFF  }
0x93: {  	_ =	shalt  }

// kernel: kernel.15.cloned.1.call-start
scs
__scs_entry_jumppad:
0x0: {  	(pc) =	sbr.rel $0x88, $3  }
0x1: {  	(tag) =	ssettag $0x0;
	lr =	simm.s32 $0x1  }
0x2: {  	[smem:$0x3F95] =	sst lr;
	_ =	strace $0xD0000000  }
0x3: {  	_ = 	snop  }
0x4: {  	_ = 	snop  }
0x5: {  	_ = 	snop  }
0x6: {  	_ = 	snop  }
0x7: {  	_ = 	snop  }
__scs_overlays_trampoline_lowered:
0x8: {  	[smem:$0x3FA4] =	sst s0  }
0x9: {  	[smem:$0x3FA5] =	sst s1  }
0xa: {  	[smem:$0x3FA6] =	sst s2  }
0xb: {  	[smem:$0x3FA7] =	sst s3  }
0xc: {  	[smem:$0x3FA8] =	sst s4  }
0xd: {  	[smem:$0x3FA9] =	sst s5  }
0xe: {  	[smem:$0x3FAA] =	sst s6  }
0xf: {  	[smem:$0x3FAB] =	sst s7  }
0x10: {  	[smem:$0x3FAC] =	sst s8  }
0x11: {  	[smem:$0x3FAD] =	sst s9;
	s0 =	simm.s32 @!p0 $0x0  }
0x12: {  	s1 =	sld [smem:$0x3F93];
	s0 =	simm.s32 @p0 $0x1  }
0x13: {  	[smem:$0x3FAE] =	sst s0;
	s0 =	simm.s32 @!p1 $0x0  }
0x14: {  	s2 =	sld [smem:$0x3F92];
	s0 =	simm.s32 @p1 $0x1  }
0x15: {  	[smem:$0x3FAF] =	sst s0;
	s0 =	simm.s32 @!p2 $0x0  }
0x16: {  	s3 =	sld [smem:$0x3FDB];
	s0 =	simm.s32 @p2 $0x1  }
0x17: {  	s4 =	simm.s32 $0x1BF5;
	[smem:$0x3FB1] =	sst s0  }
0x18: {  	s0 =	sld [smem:$0x3F94];
	_ =	swait.ge [sflag:s4], $0x0  }
0x19: {  	s7 =	sld [smem:$0x3F95]  }
0x1a: {  	s8 =	sadd.s32 $0xFFFFE003, lr  }
0x1b: {  	s9 =	sadd.s32 $0xFFFFFEF7, lr;
	s5 =	simm.s32 $0xFFFFFFFF;
	p2 =	slt.u32 s8, $0xFFFFF086  }
0x1c: {  	p1 =	slt.u32 s9, $0xF7A;
	s5 =	simm.s32 @!p2 $0x0  }
0x1d: {  	s5 =	simm.s32 @p1 $0x1;
	p0 =	seq.s32 s7, s2  }
0x1e: {  	s7 =	smul.u32 @!p0 $0xF7A, s2;
	p2 =	seq.s32 @!p0 s5, $0x0  }
0x1f: {  	s9 =	smul.u32 $0xF7A, s1;
	s8 =	simm.s32 @!p0 $0x1BF5;
	p2 =	por !p2, p0  }
0x20: {  	[sflag:s8] =	ssyncset.s32 @!p0 $0xFFFFF086;
	s6 =	sadd.s32 @!p0 s3, s7;
	s7 =	simm.s32 @!p0 $0x108  }
0x21: {  	s3 =	sadd.s32 s3, s9;
	s6 =	sadd.s32 @!p0 $0x88, s6;
	s7 =	simm.s32 @p2 $0x1082  }
0x22: {  	[simem:s7], [sflag:s8] =	dma.local @!p0 [hbm:s6], $0xF7A  }
0x23: {  	s9 =	sor.u32 $0xD0000000, s2;
	s6 =	simm.s32 $0x108;
	_ =	swait.ge @!p0 [sflag:s8], $0x0  }
0x24: {  	s3 =	sadd.s32 $0x88, s3;
	s6 =	simm.s32 @!p1 $0x1082;
	[sflag:s4] =	ssyncset.s32 $0xFFFFF086  }
0x25: {  	[simem:s6], [sflag:s4] =	dma.local [hbm:s3], $0xF7A  }
0x26: {  	[smem:$0x3F95] =	sst s1;
	(tag) =	ssettag s2;
	_ =	strace s9  }
0x27: {  	s1 =	sld [smem:$0x3FA5]  }
0x28: {  	s2 =	sld [smem:$0x3FA6]  }
0x29: {  	s4 =	sld [smem:$0x3FA8]  }
0x2a: {  	p0 =	seq.s32 s5, $0x0;
	s5 =	sld [smem:$0x3FA9]  }
0x2b: {  	s6 =	sld [smem:$0x3FAA]  }
0x2c: {  	s7 =	sld [smem:$0x3FAB]  }
0x2d: {  	s3 =	simm.s32 $0x108;
	s8 =	sld [smem:$0x3FAC]  }
0x2e: {  	s3 =	simm.s32 @!p0 $0x1082;
	s9 =	sld [smem:$0x3FAD]  }
0x2f: {  	lr =	sadd.s32 s0, s3;
	s0 =	sld [smem:$0x3FA4]  }
0x30: {  	s3 =	sld [smem:$0x3FA7]  }
0x31: {  	[smem:$0x3FB0] =	sst s10  }
0x32: {  	s10 =	sld [smem:$0x3FAE];
	_ =	sdelay $0x3  }
0x33: {  	p0 =	seq.s32 s10, $0x1;
	s10 =	sld [smem:$0x3FB0];
	_ =	sdelay $0x3  }
0x34: {  	[smem:$0x3FB0] =	sst s10  }
0x35: {  	s10 =	sld [smem:$0x3FAF];
	_ =	sdelay $0x3  }
0x36: {  	p1 =	seq.s32 s10, $0x1;
	s10 =	sld [smem:$0x3FB0];
	_ =	sdelay $0x3  }
0x37: {  	[smem:$0x3FB0] =	sst s10  }
0x38: {  	s10 =	sld [smem:$0x3FB1]  }
0x39: {  	_ = 	snop;
	(pc) =	sbr.ind lr, $3  }
0x3a: {  	_ = 	snop  }
0x3b: {  	_ = 	snop  }
0x3c: {  	p2 =	seq.s32 s10, $0x1;
	s10 =	sld [smem:$0x3FB0]  }
0x3d: {  	_ =	shalt  }
0x3e: {  	_ =	shalt  }
0x3f: {  	_ =	shalt  }
0x40: {  	_ =	shalt  }
0x41: {  	_ =	shalt  }
0x42: {  	_ =	shalt  }
0x43: {  	_ =	shalt  }
0x44: {  	_ =	shalt  }
0x45: {  	_ =	shalt  }
0x46: {  	_ =	shalt  }
0x47: {  	_ =	shalt  }
0x48: {  	_ =	shalt  }
0x49: {  	_ =	shalt  }
0x4a: {  	_ =	shalt  }
0x4b: {  	_ =	shalt  }
0x4c: {  	_ =	shalt  }
0x4d: {  	_ =	shalt  }
0x4e: {  	_ =	shalt  }
0x4f: {  	_ =	shalt  }
0x50: {  	_ =	shalt  }
0x51: {  	_ =	shalt  }
0x52: {  	_ =	shalt  }
0x53: {  	_ =	shalt  }
0x54: {  	_ =	shalt  }
0x55: {  	_ =	shalt  }
0x56: {  	_ =	shalt  }
0x57: {  	_ =	shalt  }
0x58: {  	_ =	shalt  }
0x59: {  	_ =	shalt  }
0x5a: {  	_ =	shalt  }
0x5b: {  	_ =	shalt  }
0x5c: {  	_ =	shalt  }
0x5d: {  	_ =	shalt  }
0x5e: {  	_ =	shalt  }
0x5f: {  	_ =	shalt  }
0x60: {  	_ =	shalt  }
0x61: {  	_ =	shalt  }
0x62: {  	_ =	shalt  }
0x63: {  	_ =	shalt  }
0x64: {  	_ =	shalt  }
0x65: {  	_ =	shalt  }
0x66: {  	_ =	shalt  }
0x67: {  	_ =	shalt  }
0x68: {  	_ =	shalt  }
0x69: {  	_ =	shalt  }
0x6a: {  	_ =	shalt  }
0x6b: {  	_ =	shalt  }
0x6c: {  	_ =	shalt  }
0x6d: {  	_ =	shalt  }
0x6e: {  	_ =	shalt  }
0x6f: {  	_ =	shalt  }
0x70: {  	_ =	shalt  }
0x71: {  	_ =	shalt  }
0x72: {  	_ =	shalt  }
0x73: {  	_ =	shalt  }
0x74: {  	_ =	shalt  }
0x75: {  	_ =	shalt  }
0x76: {  	_ =	shalt  }
0x77: {  	_ =	shalt  }
0x78: {  	_ =	shalt  }
0x79: {  	_ =	shalt  }
0x7a: {  	_ =	shalt  }
0x7b: {  	_ =	shalt  }
0x7c: {  	_ =	shalt  }
0x7d: {  	_ =	shalt  }
0x7e: {  	_ =	shalt  }
0x7f: {  	_ =	shalt  }
0x80: {  	_ =	shalt  }
0x81: {  	_ =	shalt  }
0x82: {  	_ =	shalt  }
0x83: {  	_ =	shalt  }
0x84: {  	_ =	shalt  }
0x85: {  	_ =	shalt  }
0x86: {  	_ =	shalt  }
0x87: {  	_ =	shalt  }
.Lfunc_end0:
.L_simem_size_0:
called_computation.2_lowered:
.L_overlay_start_0:
0x88: {  	s2 =	sld [smem:$0x3FD9]  }
0x89: {  	s3 =	sld [smem:$0x3FFE];
	_ =	sdelay $0x1  }
0x8a: {  	s1 =	srdreg.scid  }
0x8b: {  	s0 =	sand.u32 $0x1, s1  }
0x8c: {  	s16 =	sshll.u32 s0, $0xA;
	s2 =	sadd.s32 s3, s2  }
0x8d: {  	s2 =	sadd.s32 s2, s16  }
0x8e: {  	[smem:$0x3FBC] =	sst s2  }
0x8f: {  	_ = 	snop  }
0x90: {  	(tm) =	ssettm $0x1  }
0x91: {  	s17 =	sld [smem:$0x3FFB];
	_ =	sdelay $0x3  }
0x92: {  	_ =	strace s17  }
0x93: {  	s2 =	sld [smem:$0x3FFC];
	_ =	sdelay $0x3  }
0x94: {  	_ =	strace s2  }
0x95: {  	s2 =	sld [smem:$0x3FFD];
	_ =	sdelay $0x3  }
0x96: {  	_ =	strace s2  }
0x97: {  	_ =	strace $0x8FFFFFFF  }
0x98: {  	s18 =	sld [smem:$0x3FDB];
	_ =	sdelay $0x1  }
0x99: {  	s19 =	simm.s32 $_scs_section_size  }
0x9a: {  	s4 =	simm.s32 $_size__tile_overlayer_lowered;
	s5 =	simm.s32 $_tile_overlayer_lowered  }
0x9b: {  	s22 =	simm.s32 $0x1BFF;
	s21 =	sshll.u32 s5, $0x1;
	s2 =	sadd.s32 s19, s18  }
0x9c: {  	s6 =	simm.s32 $0x0;
	s20 =	sshll.u32 s4, $0x1;
	s4 =	sadd.s32 s21, s2  }
0x9d: {  	[timem:s6], [sflag:s22] =	dma.local [hbm:s4], s20  }
0x9e: {  	_ =	swait.ge [sflag:s22], s20  }
0x9f: {  	s3 =	ssub.s32 $0x0, s20;
	[sflag:s22] =	ssyncset.done $0x0  }
0xa0: {  	[sflag:s22] =	ssyncadd.s32 s3;
	_ =	sdelay $0x1  }
0xa1: {  	s23 =	simm.s32 $0x1B8B  }
0xa2: {  	_ =	swait.ge [sflag:s23], $0x1  }
0xa3: {  	[sflag:s23] =	ssyncset.done $0x0  }
0xa4: {  	s25 =	simm.s32 $0x1B8E;
	s24 =	sld [smem:$0x3FFE];
	[sflag:s23] =	ssyncadd.s32 $0xFFFFFFFF  }
0xa5: {  	s26 =	simm.s32 $execute0_lowered;
	[smem:$0x3FD2] =	sst s25  }
0xa6: {  	s4 =	sshll.u32 s26, $0x1;
	_ =	strace $0x8000004C;
	[dreg:$0x1] =	wrdreg $0xFFFFFFFF  }
0xa7: {  	s28 =	simm.s32 $_size_execute0_lowered;
	s2 =	sadd.s32 s2, s4;
	[dreg:$0x0] =	wrdreg $0x0  }
0xa8: {  	s4 =	sshll.u32 s28, $0x1;
	[dreg:$0x2] =	wrdreg s2  }
0xa9: {  	[dreg:$0x3] =	wrdreg s4  }
0xaa: {  	[dreg:$0x4] =	wrdreg $0xC0  }
0xab: {  	_ =	task [dreg:s6], $0x5FFFF  }
0xac: {  	[dreg:$0x1] =	wrdreg $0xFFFFFFFF  }
0xad: {  	[dreg:$0x0] =	wrdreg $0x60  }
0xae: {  	[dreg:$0x2] =	wrdreg s24  }
0xaf: {  	[dreg:$0x3] =	wrdreg $0x41000  }
0xb0: {  	[dreg:$0x4] =	wrdreg $0x9  }
0xb1: {  	_ =	task.clear_ibuf [dreg:s6], $0x5FFFF;
	_ =	strace $0x9000004C  }
0xb2: {  	s29 =	simm.s32 $0x9;
	_ =	strace $0x8000004E  }
0xb3: {  	_ =	swait.ge [sflag:s29], $0x1  }
0xb4: {  	[sflag:s29] =	ssyncadd.s32 $0xFFFFFFFF  }
0xb5: {  	_ =	strace $0x9000004E  }
0xb6: {  	_ =	sfence  }
0xb7: {  	s30 =	sld [smem:$0x0];
	_ =	sdelay $0x2  }
0xb8: {  	s31 =	sshll.u32 s1, $0xD;
	s1 =	sshrl.u32 s1, $0x2  }
0xb9: {  	s3 =	sand.u32 $0x4000, s31;
	s1 =	sadd.s32 s1, s30  }
0xba: {  	s0 =	sor.u32 s3, s0;
	s1 =	sshll.u32 s1, $0x11  }
0xbb: {  	s0 =	sor.u32 s1, s0  }
0xbc: {  	s0 =	sadd.s32 $0x8F2B, s0  }
0xbd: {  	[sflag:s0] =	ssyncadd.remote.s32 $0x1  }
0xbe: {  	_ =	sfence.sel $0xFFFF  }
0xbf: {  	[dreg:$0x0] =	wrdreg $0xFFFFFFFF;
	(pc) =	sbr.abs _section_cstart, $3  }
0xc0: {  	[dreg:$0x1] =	wrdreg $0xFFFFFFFF  }
0xc1: {  	_ =	task.clear_ibuf [dreg:s6], $0x2FFFF;
	_ =	strace $0x9FFFFFFF  }
0xc2: {  	(tm) =	ssettm $0x7FFFFFFF  }
0xc3: {  	_ =	shalt  }
tec
execute0_lowered:
.L_overlay_start_1:
0x0: {  	(tag) =	ssettag $0x1  }
0x1: {  	s5 =	rddreg [dreg:$0x0]  }
0x2: {  	s1 =	rddreg [dreg:$0x1]  }
0x3: {  	s0 =	rddreg [dreg:$0x2];
	s2 =	simm.s32 $0x0;
	s3 =	srdreg.scid  }
0x4: {  	s20 =	simm.s32 $0x2;
	[smem:$0x7FF] =	sst s2;
	s15 =	sand.u32 $0x1, s3  }
0x5: {  	s4 =	sadd.s32 $0x17000, s5;
	s3 =	stileid.u32;
	s7 =	smul.u32 $0x138800, s15  }
0x6: {  	s10 =	sadd.s32 $0x3E200, s5;
	s22 =	sadd.s32 $0x138000, s1;
	s9 =	smul.u32 $0x13800, s3  }
0x7: {  	_ =	strace $0x8000004D;
	s6 =	sshll.u32 s3, $0x5;
	s29 =	smul.u32 $0x4E000, s3  }
0x8: {  	s8 =	ssub.s32 $0x2, s15;
	s30 =	smul.u32 $0xA000, s3;
	s19 =	sor.u32 $0x70, s3  }
0x9: {  	s18 =	sshll.u32 s15, $0x4;
	p1 =	sne.s32 s3, $0xF;
	s16 =	sadd.s32 s6, s5  }
0xa: {  	s26 =	sshrl.u32 s8, $0x1;
	s5 =	sshll.u32 s3, $0x1;
	s17 =	smul.u32 $0xA000, s19  }
0xb: {  	p0 =	sgt.u32 s19, $0x7C;
	s19 =	simm.s32 $0x100;
	s22 =	sshrl.u32 @!p1 s22, $0x3  }
0xc: {  	s11 =	ssub.s32 s8, s26;
	s28 =	sadd.s32 s9, s7;
	s8 =	sshrl.u32 s29, $0x2  }
0xd: {  	s7 =	sshrl.u32 s7, $0x3;
	s31 =	sshrl.u32 s30, $0x2;
	s18 =	sadd.s32 s18, s16  }
0xe: {  	s6 =	sshrl.u32 s28, $0x3;
	s21 =	sadd.s32 s8, s1;
	s7 =	sadd.s32 s10, s7  }
0xf: {  	s8 =	sadd.s32 s31, s1;
	s9 =	smax.u32 s11, $0x1;
	s17 =	sshrl.u32 s17, $0x2  }
0x10: {  	s6 =	sadd.s32 s10, s6;
	s7 =	sadd.s32 $0x27000, s7;
	s10 =	sadd.s32 $0x28000, s8  }
0x11: {  	s11 =	sadd.s32 $0x50000, s8;
	s12 =	sadd.s32 $0x78000, s8;
	s13 =	sadd.s32 $0xA0000, s8  }
0x12: {  	s14 =	sadd.s32 $0xC8000, s8;
	s15 =	sadd.s32 $0xF0000, s8;
	s16 =	sadd.s32 s17, s1  }
0x13: {  	v0 =	vimm.f32 $0.0e+00;
	s17 =	sadd.s32 $0x3400, s18;
	s18 =	sadd.s32 $0xD200, s18;
	s21 =	sshrl.u32 s21, $0x3  }
.LBB2_1:
0x14: {  	s23 =	simm.s32 $0x0;
	s24 =	simm.s32 $0x200  }
.LBB2_2:
0x15: {  	p2 =	sne.s32 s24, $0xFE00;
	[tilespmem:s23+$0x170] =	vst v0  }
0x16: {  	[tilespmem:s23+$0x100] =	vst v0  }
0x17: {  	[tilespmem:s23+$0x110] =	vst v0  }
.Ltmp0:
0x18: {  	[tilespmem:s23+$0x120] =	vst v0;
	(pc) =	sbr.rel @p2 .LBB2_2-.Ltmp0, $4  }
0x19: {  	[tilespmem:s23+$0x130] =	vst v0  }
0x1a: {  	[tilespmem:s23+$0x140] =	vst v0  }
0x1b: {  	[tilespmem:s23+$0x150] =	vst v0  }
0x1c: {  	[tilespmem:s23+$0x160] =	vst v0;
	s23 =	sshra.s32 s24, $0x2;
	s24 =	sadd.s32 $0x200, s24  }
0x1d: {  	[tilespmem:s23+$0x170] =	vst v0  }
0x1e: {  	[tilespmem:s23+$0x100] =	vst v0  }
0x1f: {  	[tilespmem:s23+$0x110] =	vst v0  }
0x20: {  	[tilespmem:s23+$0x120] =	vst v0  }
0x21: {  	[tilespmem:s23+$0x130] =	vst v0  }
0x22: {  	[tilespmem:s23+$0x140] =	vst v0  }
0x23: {  	[tilespmem:s23+$0x150] =	vst v0  }
0x24: {  	[tilespmem:s23+$0x160] =	vst v0  }
0x25: {  	[spmem:s8] =	stream.linear.scatter [tilespmem:s19], [sflag:$0x2], $0x2800, $0x38;
	[tilespmem:$0x17980] =	vst v63  }
0x26: {  	_ =	swait.ge [sflag:s20], $0x2800  }
0x27: {  	[sflag:s20] =	ssyncset.done $0x0  }
0x28: {  	[sflag:s20] =	ssyncadd.s32 $0xFFFFD800  }
0x29: {  	[spmem:s10] =	stream.linear.scatter [tilespmem:s19], [sflag:$0x2], $0x2800, $0x38;
	[tilespmem:$0x17980] =	vst v63  }
0x2a: {  	_ =	swait.ge [sflag:s20], $0x2800  }
0x2b: {  	[sflag:s20] =	ssyncset.done $0x0  }
0x2c: {  	[sflag:s20] =	ssyncadd.s32 $0xFFFFD800  }
0x2d: {  	[spmem:s11] =	stream.linear.scatter [tilespmem:s19], [sflag:$0x2], $0x2800, $0x38;
	[tilespmem:$0x17980] =	vst v63  }
0x2e: {  	_ =	swait.ge [sflag:s20], $0x2800  }
0x2f: {  	[sflag:s20] =	ssyncset.done $0x0  }
0x30: {  	[sflag:s20] =	ssyncadd.s32 $0xFFFFD800  }
0x31: {  	[spmem:s12] =	stream.linear.scatter [tilespmem:s19], [sflag:$0x2], $0x2800, $0x38;
	[tilespmem:$0x17980] =	vst v63  }
0x32: {  	_ =	swait.ge [sflag:s20], $0x2800  }
0x33: {  	[sflag:s20] =	ssyncset.done $0x0  }
0x34: {  	[sflag:s20] =	ssyncadd.s32 $0xFFFFD800  }
0x35: {  	[spmem:s13] =	stream.linear.scatter [tilespmem:s19], [sflag:$0x2], $0x2800, $0x38;
	[tilespmem:$0x17980] =	vst v63  }
0x36: {  	_ =	swait.ge [sflag:s20], $0x2800  }
0x37: {  	[sflag:s20] =	ssyncset.done $0x0  }
0x38: {  	[sflag:s20] =	ssyncadd.s32 $0xFFFFD800  }
0x39: {  	[spmem:s14] =	stream.linear.scatter [tilespmem:s19], [sflag:$0x2], $0x2800, $0x38;
	[tilespmem:$0x17980] =	vst v63  }
0x3a: {  	_ =	swait.ge [sflag:s20], $0x2800  }
0x3b: {  	[sflag:s20] =	ssyncset.done $0x0  }
0x3c: {  	[sflag:s20] =	ssyncadd.s32 $0xFFFFD800  }
0x3d: {  	[spmem:s15] =	stream.linear.scatter [tilespmem:s19], [sflag:$0x2], $0x2800, $0x38;
	[tilespmem:$0x17980] =	vst v63  }
0x3e: {  	_ =	swait.ge [sflag:s20], $0x2800  }
0x3f: {  	[sflag:s20] =	ssyncset.done $0x0  }
0x40: {  	s23 =	simm.s32 @!p0 $0x100;
	[sflag:s20] =	ssyncadd.s32 $0xFFFFD800  }
0x41: {  	[spmem:s16] =	stream.linear.scatter @!p0 [tilespmem:s23], [sflag:$0x2], $0x2800, $0x38;
	[tilespmem:$0x17980] =	vst v63  }
0x42: {  	s23 =	simm.s32 @!p0 $0x2  }
0x43: {  	_ =	swait.ge @!p0 [sflag:s23], $0x2800  }
0x44: {  	p2 =	sgt.u32 s5, $0x9C3;
	[sflag:s23] =	ssyncset.done @!p0 $0x0  }
0x45: {  	s24 =	simm.s32 @!p2 $0x0;
	[sflag:s23] =	ssyncadd.s32 @!p0 $0xFFFFD800  }
0x46: {  	s25 =	simm.s32 @!p2 $0x3;
	s23 =	sadd.s32 @!p2 $0x0, s18;
	[bflag:$0x0] =	sbarrier.arrive $0xFFFF  }
0x47: {  	[tilespmem:s24], [sflag:$0x3] =	stream.linear.gather @!p2 [hbm4b:s23+s24], $0x80, $0x38;
	[tilespmem:$0x17980] =	vst v63  }
0x48: {  	_ =	swait.ge @!p2 [sflag:s25], $0x80;
	p2 =	por p2, p2  }
0x49: {  	[sflag:s25] =	ssyncset.done @!p2 $0x0  }
0x4a: {  	s23 =	sadd.s32 @!p2 $0x0, s17;
	s26 =	simm.s32 @!p2 $0x80;
	[sflag:s25] =	ssyncadd.s32 @!p2 $0xFFFFFF80  }
0x4b: {  	[tilespmem:s26], [sflag:$0x3] =	stream.linear.gather @!p2 [hbm4b:s23+s24], $0x80, $0x38;
	[tilespmem:$0x17980] =	vst v63  }
0x4c: {  	_ =	swait.ge @!p2 [sflag:s25], $0x80  }
0x4d: {  	[sflag:s25] =	ssyncset.done @!p2 $0x0  }
0x4e: {  	s23 =	simm.s32 @!p2 $0x100;
	[sflag:s25] =	ssyncadd.s32 @!p2 $0xFFFFFF80;
	s25 =	simm.s32 @!p2 $0x1  }
0x4f: {  	[tilespmem:s23], [sflag:$0x1] =	stream.indirect.gather @!p2 [hbm4b:s4+s26], $0x80, s24, s26, $0xb8;
	[tilespmem:$0x17980] =	vst v63  }
0x50: {  	_ =	swait.ge @!p2 [sflag:s25], $0x4000  }
0x51: {  	[sflag:s25] =	ssyncset.done @!p2 $0x0  }
0x52: {  	s24 =	sadd.s32 $0x20, s5;
	[sflag:s25] =	ssyncadd.s32 @!p2 $0xFFFFC000  }
0x53: {  	[spmem:s1] =	stream.indirect.scatter.add.f32 @!p2 [tilespmem:s23], [sflag:$0x2], $0x80, s26, s26, $0xb8;
	[tilespmem:$0x17980] =	vst v63  }
0x54: {  	p4 =	sgt.u32 s24, $0x9C3;
	s26 =	simm.s32 @!p2 $0x2  }
0x55: {  	s25 =	simm.s32 $0x400;
	s23 =	simm.s32 $0x200;
	_ =	swait.ge @!p2 [sflag:s26], $0x4000  }
.LBB2_4:
0x56: {  	s28 =	sadd.s32 @!p4 s23, s18  }
0x57: {  	s29 =	simm.s32 @!p4 $0x0;
	[sflag:s26] =	ssyncset.done @!p2 $0x0;
	s30 =	smov.u32 s25  }
0x58: {  	s25 =	sadd.s32 $0x200, s25;
	s31 =	simm.s32 @!p4 $0x3;
	[sflag:s26] =	ssyncadd.s32 @!p2 $0xFFFFC000  }
0x59: {  	[tilespmem:s29], [sflag:$0x3] =	stream.linear.gather @!p4 [hbm4b:s28+s29], $0x80, $0x38;
	[tilespmem:$0x17980] =	vst v63  }
0x5a: {  	p3 =	sne.s32 s25, $0x9E00;
	p2 =	por p4, p4;
	_ =	swait.ge @!p4 [sflag:s31], $0x80  }
0x5b: {  	[sflag:s31] =	ssyncset.done @!p2 $0x0  }
0x5c: {  	s23 =	sadd.s32 @!p2 s23, s17;
	s28 =	simm.s32 @!p2 $0x80;
	[sflag:s31] =	ssyncadd.s32 @!p2 $0xFFFFFF80  }
0x5d: {  	[tilespmem:s28], [sflag:$0x3] =	stream.linear.gather @!p2 [hbm4b:s23+s29], $0x80, $0x38;
	[tilespmem:$0x17980] =	vst v63  }
0x5e: {  	s23 =	smov.u32 s30;
	_ =	swait.ge @!p2 [sflag:s31], $0x80  }
0x5f: {  	[sflag:s31] =	ssyncset.done @!p2 $0x0  }
0x60: {  	s26 =	simm.s32 @!p2 $0x1;
	s30 =	simm.s32 @!p2 $0x100;
	[sflag:s31] =	ssyncadd.s32 @!p2 $0xFFFFFF80  }
0x61: {  	[tilespmem:s30], [sflag:$0x1] =	stream.indirect.gather @!p2 [hbm4b:s4+s28], $0x80, s29, s28, $0xb8;
	[tilespmem:$0x17980] =	vst v63  }
.Ltmp1:
0x62: {  	_ =	swait.ge @!p2 [sflag:s26], $0x4000;
	(pc) =	sbr.rel @p3 .LBB2_4-.Ltmp1, $4  }
0x63: {  	[sflag:s26] =	ssyncset.done @!p2 $0x0  }
0x64: {  	s24 =	sadd.s32 $0x20, s24;
	[sflag:s26] =	ssyncadd.s32 @!p2 $0xFFFFC000;
	s26 =	simm.s32 @!p2 $0x2  }
0x65: {  	[spmem:s1] =	stream.indirect.scatter.add.f32 @!p2 [tilespmem:s30], [sflag:$0x2], $0x80, s28, s28, $0xb8;
	[tilespmem:$0x17980] =	vst v63  }
0x66: {  	p4 =	sgt.u32 s24, $0x9C3;
	_ =	swait.ge @!p2 [sflag:s26], $0x4000  }
0x67: {  	s24 =	sadd.s32 @!p4 s23, s18;
	[sflag:s26] =	ssyncset.done @!p2 $0x0  }
0x68: {  	s25 =	simm.s32 @!p4 $0x0;
	s28 =	simm.s32 @!p4 $0x3;
	[sflag:s26] =	ssyncadd.s32 @!p2 $0xFFFFC000  }
0x69: {  	[tilespmem:s25], [sflag:$0x3] =	stream.linear.gather @!p4 [hbm4b:s24+s25], $0x80, $0x38;
	[tilespmem:$0x17980] =	vst v63  }
0x6a: {  	p2 =	por p4, p4;
	_ =	swait.ge @!p4 [sflag:s28], $0x80  }
0x6b: {  	[sflag:s28] =	ssyncset.done @!p2 $0x0  }
0x6c: {  	s23 =	sadd.s32 @!p2 s23, s17;
	s24 =	simm.s32 @!p2 $0x80;
	[sflag:s28] =	ssyncadd.s32 @!p2 $0xFFFFFF80  }
0x6d: {  	[tilespmem:s24], [sflag:$0x3] =	stream.linear.gather @!p2 [hbm4b:s23+s25], $0x80, $0x38;
	[tilespmem:$0x17980] =	vst v63  }
0x6e: {  	_ =	swait.ge @!p2 [sflag:s28], $0x80  }
0x6f: {  	[sflag:s28] =	ssyncset.done @!p2 $0x0  }
0x70: {  	s26 =	simm.s32 @!p2 $0x1;
	s23 =	simm.s32 @!p2 $0x100;
	[sflag:s28] =	ssyncadd.s32 @!p2 $0xFFFFFF80  }
0x71: {  	[tilespmem:s23], [sflag:$0x1] =	stream.indirect.gather @!p2 [hbm4b:s4+s24], $0x80, s25, s24, $0xb8;
	[tilespmem:$0x17980] =	vst v63  }
0x72: {  	_ =	swait.ge @!p2 [sflag:s26], $0x4000  }
0x73: {  	[sflag:s26] =	ssyncset.done @!p2 $0x0  }
0x74: {  	s25 =	simm.s32 @!p2 $0x2;
	[sflag:s26] =	ssyncadd.s32 @!p2 $0xFFFFC000  }
0x75: {  	[spmem:s1] =	stream.indirect.scatter.add.f32 @!p2 [tilespmem:s23], [sflag:$0x2], $0x80, s24, s24, $0xb8;
	[tilespmem:$0x17980] =	vst v63  }
0x76: {  	_ =	swait.ge @!p2 [sflag:s25], $0x4000  }
0x77: {  	[sflag:s25] =	ssyncset.done @!p2 $0x0  }
0x78: {  	s31 =	sshll.u32 s3, $0x6;
	[sflag:s25] =	ssyncadd.s32 @!p2 $0xFFFFC000  }
0x79: {  	s23 =	sor.u32 $0x1C02, s31;
	[bflag:$0x0] =	sbarrier.arrive $0xFFFF  }
0x7a: {  	[hbm:s6], [sflag:s23] =	dma.local [spmem:s21], $0x2700  }
0x7b: {  	_ =	swait.ge [sflag:s20], $0x2700  }
0x7c: {  	s2 =	sadd.s32 $0x1, s2;
	[sflag:s20] =	ssyncset.done $0x0  }
0x7d: {  	p2 =	sne.s32 s2, s9;
	[sflag:s20] =	ssyncadd.s32 $0xFFFFD900  }
0x7e: {  	[hbm:s7], [sflag:s23] =	dma.local @!p1 [spmem:s22], $0x100  }
.Ltmp2:
0x7f: {  	_ = 	snop;
	(pc) =	sbr.rel @p2 .LBB2_1-.Ltmp2, $4  }
0x80: {  	s23 =	simm.s32 @!p1 $0x2  }
0x81: {  	_ =	swait.ge @!p1 [sflag:s23], $0x100  }
0x82: {  	[sflag:s23] =	ssyncset.done @!p1 $0x0  }
0x83: {  	[sflag:s23] =	ssyncadd.s32 @!p1 $0xFFFFFF00  }
0x84: {  	_ =	sfence.sel $0x180000  }
0x85: {  	[bflag:$0x0] =	sbarrier.arrive $0xFFFF  }
0x86: {  	p0 =	sne.s32 s3, $0x0;
	_ =	strace $0x9000004D  }
0x87: {  	s0 =	sadd.s32 @!p0 $0x100000, s0;
	[bflag:$0x2] =	sbarrier.arrive $0xFFFF  }
0x88: {  	[sflag:s0] =	ssyncadd.tile.s32 @!p0 $0x1;
	_ =	shalt  }
.Lfunc_end2:
_tile_overlayer_lowered:
.L_overlay_start_2:
0x89: {  	(tag) =	ssettag $0x2  }
0x8a: {  	s0 =	rddreg [dreg:$0x0];
	s2 =	stileid.u32  }
0x8b: {  	s1 =	rddreg [dreg:$0x1];
	p0 =	sne.s32 s2, $0x0  }
0x8c: {  	s3 =	rddreg [dreg:$0x2];
	[bflag:$0x3] =	sbarrier.arrive $0xFFFF;
	s2 =	simm.s32 @!p0 $0x1C02  }
0x8d: {  	[timem:s3], [sflag:s2] =	dma.local @!p0 [hbm:s0], s1  }
0x8e: {  	s0 =	simm.s32 @!p0 $0x2  }
0x8f: {  	_ =	swait.ge @!p0 [sflag:s0], s1  }
0x90: {  	s1 =	ssub.s32 @!p0 $0x0, s1;
	[sflag:s0] =	ssyncset.done @!p0 $0x0  }
0x91: {  	[sflag:s0] =	ssyncadd.s32 @!p0 s1  }
0x92: {  	[bflag:$0x3] =	sbarrier.arrive $0xFFFF  }
0x93: {  	_ =	shalt  }

// kernel: kernel.9.cloned.1.call-start
scs
__scs_entry_jumppad:
0x0: {  	(pc) =	sbr.rel $0x88, $3  }
0x1: {  	(tag) =	ssettag $0x0;
	lr =	simm.s32 $0x1  }
0x2: {  	[smem:$0x3F95] =	sst lr;
	_ =	strace $0xD0000000  }
0x3: {  	_ = 	snop  }
0x4: {  	_ = 	snop  }
0x5: {  	_ = 	snop  }
0x6: {  	_ = 	snop  }
0x7: {  	_ = 	snop  }
__scs_overlays_trampoline_lowered:
0x8: {  	[smem:$0x3FA4] =	sst s0  }
0x9: {  	[smem:$0x3FA5] =	sst s1  }
0xa: {  	[smem:$0x3FA6] =	sst s2  }
0xb: {  	[smem:$0x3FA7] =	sst s3  }
0xc: {  	[smem:$0x3FA8] =	sst s4  }
0xd: {  	[smem:$0x3FA9] =	sst s5  }
0xe: {  	[smem:$0x3FAA] =	sst s6  }
0xf: {  	[smem:$0x3FAB] =	sst s7  }
0x10: {  	[smem:$0x3FAC] =	sst s8  }
0x11: {  	[smem:$0x3FAD] =	sst s9;
	s0 =	simm.s32 @!p0 $0x0  }
0x12: {  	s1 =	sld [smem:$0x3F93];
	s0 =	simm.s32 @p0 $0x1  }
0x13: {  	[smem:$0x3FAE] =	sst s0;
	s0 =	simm.s32 @!p1 $0x0  }
0x14: {  	s2 =	sld [smem:$0x3F92];
	s0 =	simm.s32 @p1 $0x1  }
0x15: {  	[smem:$0x3FAF] =	sst s0;
	s0 =	simm.s32 @!p2 $0x0  }
0x16: {  	s3 =	sld [smem:$0x3FDB];
	s0 =	simm.s32 @p2 $0x1  }
0x17: {  	s4 =	simm.s32 $0x1BF5;
	[smem:$0x3FB1] =	sst s0  }
0x18: {  	s0 =	sld [smem:$0x3F94];
	_ =	swait.ge [sflag:s4], $0x0  }
0x19: {  	s7 =	sld [smem:$0x3F95]  }
0x1a: {  	s8 =	sadd.s32 $0xFFFFE003, lr  }
0x1b: {  	s9 =	sadd.s32 $0xFFFFFEF7, lr;
	s5 =	simm.s32 $0xFFFFFFFF;
	p2 =	slt.u32 s8, $0xFFFFF086  }
0x1c: {  	p1 =	slt.u32 s9, $0xF7A;
	s5 =	simm.s32 @!p2 $0x0  }
0x1d: {  	s5 =	simm.s32 @p1 $0x1;
	p0 =	seq.s32 s7, s2  }
0x1e: {  	s7 =	smul.u32 @!p0 $0xF7A, s2;
	p2 =	seq.s32 @!p0 s5, $0x0  }
0x1f: {  	s9 =	smul.u32 $0xF7A, s1;
	s8 =	simm.s32 @!p0 $0x1BF5;
	p2 =	por !p2, p0  }
0x20: {  	[sflag:s8] =	ssyncset.s32 @!p0 $0xFFFFF086;
	s6 =	sadd.s32 @!p0 s3, s7;
	s7 =	simm.s32 @!p0 $0x108  }
0x21: {  	s3 =	sadd.s32 s3, s9;
	s6 =	sadd.s32 @!p0 $0x88, s6;
	s7 =	simm.s32 @p2 $0x1082  }
0x22: {  	[simem:s7], [sflag:s8] =	dma.local @!p0 [hbm:s6], $0xF7A  }
0x23: {  	s9 =	sor.u32 $0xD0000000, s2;
	s6 =	simm.s32 $0x108;
	_ =	swait.ge @!p0 [sflag:s8], $0x0  }
0x24: {  	s3 =	sadd.s32 $0x88, s3;
	s6 =	simm.s32 @!p1 $0x1082;
	[sflag:s4] =	ssyncset.s32 $0xFFFFF086  }
0x25: {  	[simem:s6], [sflag:s4] =	dma.local [hbm:s3], $0xF7A  }
0x26: {  	[smem:$0x3F95] =	sst s1;
	(tag) =	ssettag s2;
	_ =	strace s9  }
0x27: {  	s1 =	sld [smem:$0x3FA5]  }
0x28: {  	s2 =	sld [smem:$0x3FA6]  }
0x29: {  	s4 =	sld [smem:$0x3FA8]  }
0x2a: {  	p0 =	seq.s32 s5, $0x0;
	s5 =	sld [smem:$0x3FA9]  }
0x2b: {  	s6 =	sld [smem:$0x3FAA]  }
0x2c: {  	s7 =	sld [smem:$0x3FAB]  }
0x2d: {  	s3 =	simm.s32 $0x108;
	s8 =	sld [smem:$0x3FAC]  }
0x2e: {  	s3 =	simm.s32 @!p0 $0x1082;
	s9 =	sld [smem:$0x3FAD]  }
0x2f: {  	lr =	sadd.s32 s0, s3;
	s0 =	sld [smem:$0x3FA4]  }
0x30: {  	s3 =	sld [smem:$0x3FA7]  }
0x31: {  	[smem:$0x3FB0] =	sst s10  }
0x32: {  	s10 =	sld [smem:$0x3FAE];
	_ =	sdelay $0x3  }
0x33: {  	p0 =	seq.s32 s10, $0x1;
	s10 =	sld [smem:$0x3FB0];
	_ =	sdelay $0x3  }
0x34: {  	[smem:$0x3FB0] =	sst s10  }
0x35: {  	s10 =	sld [smem:$0x3FAF];
	_ =	sdelay $0x3  }
0x36: {  	p1 =	seq.s32 s10, $0x1;
	s10 =	sld [smem:$0x3FB0];
	_ =	sdelay $0x3  }
0x37: {  	[smem:$0x3FB0] =	sst s10  }
0x38: {  	s10 =	sld [smem:$0x3FB1]  }
0x39: {  	_ = 	snop;
	(pc) =	sbr.ind lr, $3  }
0x3a: {  	_ = 	snop  }
0x3b: {  	_ = 	snop  }
0x3c: {  	p2 =	seq.s32 s10, $0x1;
	s10 =	sld [smem:$0x3FB0]  }
0x3d: {  	_ =	shalt  }
0x3e: {  	_ =	shalt  }
0x3f: {  	_ =	shalt  }
0x40: {  	_ =	shalt  }
0x41: {  	_ =	shalt  }
0x42: {  	_ =	shalt  }
0x43: {  	_ =	shalt  }
0x44: {  	_ =	shalt  }
0x45: {  	_ =	shalt  }
0x46: {  	_ =	shalt  }
0x47: {  	_ =	shalt  }
0x48: {  	_ =	shalt  }
0x49: {  	_ =	shalt  }
0x4a: {  	_ =	shalt  }
0x4b: {  	_ =	shalt  }
0x4c: {  	_ =	shalt  }
0x4d: {  	_ =	shalt  }
0x4e: {  	_ =	shalt  }
0x4f: {  	_ =	shalt  }
0x50: {  	_ =	shalt  }
0x51: {  	_ =	shalt  }
0x52: {  	_ =	shalt  }
0x53: {  	_ =	shalt  }
0x54: {  	_ =	shalt  }
0x55: {  	_ =	shalt  }
0x56: {  	_ =	shalt  }
0x57: {  	_ =	shalt  }
0x58: {  	_ =	shalt  }
0x59: {  	_ =	shalt  }
0x5a: {  	_ =	shalt  }
0x5b: {  	_ =	shalt  }
0x5c: {  	_ =	shalt  }
0x5d: {  	_ =	shalt  }
0x5e: {  	_ =	shalt  }
0x5f: {  	_ =	shalt  }
0x60: {  	_ =	shalt  }
0x61: {  	_ =	shalt  }
0x62: {  	_ =	shalt  }
0x63: {  	_ =	shalt  }
0x64: {  	_ =	shalt  }
0x65: {  	_ =	shalt  }
0x66: {  	_ =	shalt  }
0x67: {  	_ =	shalt  }
0x68: {  	_ =	shalt  }
0x69: {  	_ =	shalt  }
0x6a: {  	_ =	shalt  }
0x6b: {  	_ =	shalt  }
0x6c: {  	_ =	shalt  }
0x6d: {  	_ =	shalt  }
0x6e: {  	_ =	shalt  }
0x6f: {  	_ =	shalt  }
0x70: {  	_ =	shalt  }
0x71: {  	_ =	shalt  }
0x72: {  	_ =	shalt  }
0x73: {  	_ =	shalt  }
0x74: {  	_ =	shalt  }
0x75: {  	_ =	shalt  }
0x76: {  	_ =	shalt  }
0x77: {  	_ =	shalt  }
0x78: {  	_ =	shalt  }
0x79: {  	_ =	shalt  }
0x7a: {  	_ =	shalt  }
0x7b: {  	_ =	shalt  }
0x7c: {  	_ =	shalt  }
0x7d: {  	_ =	shalt  }
0x7e: {  	_ =	shalt  }
0x7f: {  	_ =	shalt  }
0x80: {  	_ =	shalt  }
0x81: {  	_ =	shalt  }
0x82: {  	_ =	shalt  }
0x83: {  	_ =	shalt  }
0x84: {  	_ =	shalt  }
0x85: {  	_ =	shalt  }
0x86: {  	_ =	shalt  }
0x87: {  	_ =	shalt  }
.Lfunc_end0:
.L_simem_size_0:
called_computation_lowered:
.L_overlay_start_0:
0x88: {  	s2 =	sld [smem:$0x3FD9]  }
0x89: {  	s3 =	sld [smem:$0x3FFE];
	_ =	sdelay $0x1  }
0x8a: {  	s1 =	srdreg.scid  }
0x8b: {  	s0 =	sand.u32 $0x1, s1  }
0x8c: {  	s17 =	sshll.u32 s0, $0xA;
	s2 =	sadd.s32 s3, s2  }
0x8d: {  	s2 =	sadd.s32 s2, s17  }
0x8e: {  	[smem:$0x3FBC] =	sst s2  }
0x8f: {  	_ = 	snop  }
0x90: {  	s2 =	sld [smem:$0x3FC9];
	(tm) =	ssettm $0x1  }
0x91: {  	s18 =	sld [smem:$0x3FFB];
	_ =	sdelay $0x3  }
0x92: {  	_ =	strace s18  }
0x93: {  	s3 =	sld [smem:$0x3FFC];
	_ =	sdelay $0x3  }
0x94: {  	_ =	strace s3  }
0x95: {  	s3 =	sld [smem:$0x3FFD];
	_ =	sdelay $0x3  }
0x96: {  	_ =	strace s3  }
0x97: {  	_ =	strace $0x8FFFFFFF  }
0x98: {  	s19 =	sld [smem:$0x3FDB];
	_ =	sdelay $0x1  }
0x99: {  	s4 =	simm.s32 $_scs_section_size  }
0x9a: {  	s5 =	simm.s32 $_size__tile_overlayer_lowered;
	s6 =	simm.s32 $_tile_overlayer_lowered  }
0x9b: {  	s22 =	simm.s32 $0x1BFF;
	s21 =	sshll.u32 s6, $0x1;
	s3 =	sadd.s32 s4, s19  }
0x9c: {  	s7 =	simm.s32 $0x0;
	s20 =	sshll.u32 s5, $0x1;
	s5 =	sadd.s32 s21, s3  }
0x9d: {  	[timem:s7], [sflag:s22] =	dma.local [hbm:s5], s20  }
0x9e: {  	_ =	swait.ge [sflag:s22], s20  }
0x9f: {  	s4 =	ssub.s32 $0x0, s20;
	[sflag:s22] =	ssyncset.done $0x0  }
0xa0: {  	[sflag:s22] =	ssyncadd.s32 s4;
	_ =	sdelay $0x1  }
0xa1: {  	s23 =	simm.s32 $0x1B8B  }
0xa2: {  	_ =	swait.ge [sflag:s23], $0x1  }
0xa3: {  	[sflag:s23] =	ssyncset.done $0x0  }
0xa4: {  	s25 =	simm.s32 $0x1B8E;
	s24 =	sld [smem:$0x3FFE];
	[sflag:s23] =	ssyncadd.s32 $0xFFFFFFFF  }
0xa5: {  	s26 =	simm.s32 $execute0_lowered;
	[smem:$0x3FD2] =	sst s25  }
0xa6: {  	s5 =	sshll.u32 s26, $0x1;
	_ =	strace $0x80000046;
	[dreg:$0x1] =	wrdreg $0xFFFFFFFF  }
0xa7: {  	s28 =	simm.s32 $_size_execute0_lowered;
	s3 =	sadd.s32 s3, s5;
	[dreg:$0x0] =	wrdreg $0x0  }
0xa8: {  	s5 =	sshll.u32 s28, $0x1;
	[dreg:$0x2] =	wrdreg s3  }
0xa9: {  	[dreg:$0x3] =	wrdreg s5  }
0xaa: {  	[dreg:$0x4] =	wrdreg $0xC0  }
0xab: {  	_ =	task [dreg:s7], $0x5FFFF  }
0xac: {  	[dreg:$0x1] =	wrdreg $0xFFFFFFFF  }
0xad: {  	[dreg:$0x0] =	wrdreg $0x60  }
0xae: {  	[dreg:$0x2] =	wrdreg s2  }
0xaf: {  	[dreg:$0x3] =	wrdreg s24  }
0xb0: {  	[dreg:$0x4] =	wrdreg $0x41000  }
0xb1: {  	[dreg:$0x5] =	wrdreg $0x9  }
0xb2: {  	_ =	task.clear_ibuf [dreg:s7], $0x6FFFF;
	_ =	strace $0x90000046  }
0xb3: {  	s29 =	simm.s32 $0x9;
	_ =	strace $0x80000048  }
0xb4: {  	_ =	swait.ge [sflag:s29], $0x1  }
0xb5: {  	[sflag:s29] =	ssyncadd.s32 $0xFFFFFFFF  }
0xb6: {  	_ =	strace $0x90000048  }
0xb7: {  	_ =	sfence  }
0xb8: {  	s30 =	sld [smem:$0x0];
	_ =	sdelay $0x2  }
0xb9: {  	s31 =	sshll.u32 s1, $0xD;
	s1 =	sshrl.u32 s1, $0x2  }
0xba: {  	s3 =	sand.u32 $0x4000, s31;
	s1 =	sadd.s32 s1, s30  }
0xbb: {  	s0 =	sor.u32 s3, s0;
	s1 =	sshll.u32 s1, $0x11  }
0xbc: {  	s0 =	sor.u32 s1, s0  }
0xbd: {  	s0 =	sadd.s32 $0x8F2B, s0  }
0xbe: {  	[sflag:s0] =	ssyncadd.remote.s32 $0x1  }
0xbf: {  	_ =	sfence.sel $0xFFFF  }
0xc0: {  	[dreg:$0x0] =	wrdreg $0xFFFFFFFF;
	(pc) =	sbr.abs _section_cstart, $3  }
0xc1: {  	[dreg:$0x1] =	wrdreg $0xFFFFFFFF  }
0xc2: {  	_ =	task.clear_ibuf [dreg:s7], $0x2FFFF;
	_ =	strace $0x9FFFFFFF  }
0xc3: {  	(tm) =	ssettm $0x7FFFFFFF  }
tec
execute0_lowered:
.L_overlay_start_1:
0x0: {  	(tag) =	ssettag $0x1  }
0x1: {  	s1 =	rddreg [dreg:$0x0]  }
0x2: {  	s5 =	rddreg [dreg:$0x1]  }
0x3: {  	s2 =	rddreg [dreg:$0x2]  }
0x4: {  	s0 =	rddreg [dreg:$0x3];
	s3 =	simm.s32 $0x0;
	s4 =	srdreg.scid  }
0x5: {  	[smem:$0x7FF] =	sst s3;
	s15 =	sand.u32 $0x1, s4  }
0x6: {  	s20 =	simm.s32 $0x2;
	s4 =	stileid.u32;
	s7 =	smul.u32 $0x138800, s15  }
0x7: {  	s10 =	sadd.s32 $0x17000, s5;
	s22 =	sadd.s32 $0x138000, s2;
	s9 =	smul.u32 $0x13800, s4  }
0x8: {  	_ =	strace $0x80000047;
	s6 =	sshll.u32 s4, $0x5;
	s29 =	smul.u32 $0x4E000, s4  }
0x9: {  	s8 =	ssub.s32 $0x2, s15;
	s30 =	smul.u32 $0xA000, s4;
	s19 =	sor.u32 $0x70, s4  }
0xa: {  	s18 =	sshll.u32 s15, $0x4;
	p1 =	sne.s32 s4, $0xF;
	s16 =	sadd.s32 s6, s5  }
0xb: {  	s26 =	sshrl.u32 s8, $0x1;
	s5 =	sshll.u32 s4, $0x1;
	s17 =	smul.u32 $0xA000, s19  }
0xc: {  	p0 =	sgt.u32 s19, $0x7C;
	s19 =	simm.s32 $0x100;
	s22 =	sshrl.u32 @!p1 s22, $0x3  }
0xd: {  	s11 =	ssub.s32 s8, s26;
	s28 =	sadd.s32 s9, s7;
	s8 =	sshrl.u32 s29, $0x2  }
0xe: {  	s7 =	sshrl.u32 s7, $0x3;
	s31 =	sshrl.u32 s30, $0x2;
	s18 =	sadd.s32 s18, s16  }
0xf: {  	s6 =	sshrl.u32 s28, $0x3;
	s21 =	sadd.s32 s8, s2;
	s7 =	sadd.s32 s10, s7  }
0x10: {  	s8 =	sadd.s32 s31, s2;
	s9 =	smax.u32 s11, $0x1;
	s17 =	sshrl.u32 s17, $0x2  }
0x11: {  	s6 =	sadd.s32 s10, s6;
	s7 =	sadd.s32 $0x27000, s7;
	s10 =	sadd.s32 $0x28000, s8  }
0x12: {  	s11 =	sadd.s32 $0x50000, s8;
	s12 =	sadd.s32 $0x78000, s8;
	s13 =	sadd.s32 $0xA0000, s8  }
0x13: {  	s14 =	sadd.s32 $0xC8000, s8;
	s15 =	sadd.s32 $0xF0000, s8;
	s16 =	sadd.s32 s17, s2  }
0x14: {  	v0 =	vimm.f32 $0.0e+00;
	s17 =	sadd.s32 $0x3400, s18;
	s18 =	sadd.s32 $0xD200, s18;
	s21 =	sshrl.u32 s21, $0x3  }
.LBB2_1:
0x15: {  	s23 =	simm.s32 $0x0;
	s24 =	simm.s32 $0x200  }
.LBB2_2:
0x16: {  	p2 =	sne.s32 s24, $0xFE00;
	[tilespmem:s23+$0x170] =	vst v0  }
0x17: {  	[tilespmem:s23+$0x100] =	vst v0  }
0x18: {  	[tilespmem:s23+$0x110] =	vst v0  }
.Ltmp0:
0x19: {  	[tilespmem:s23+$0x120] =	vst v0;
	(pc) =	sbr.rel @p2 .LBB2_2-.Ltmp0, $4  }
0x1a: {  	[tilespmem:s23+$0x130] =	vst v0  }
0x1b: {  	[tilespmem:s23+$0x140] =	vst v0  }
0x1c: {  	[tilespmem:s23+$0x150] =	vst v0  }
0x1d: {  	[tilespmem:s23+$0x160] =	vst v0;
	s23 =	sshra.s32 s24, $0x2;
	s24 =	sadd.s32 $0x200, s24  }
0x1e: {  	[tilespmem:s23+$0x170] =	vst v0  }
0x1f: {  	[tilespmem:s23+$0x100] =	vst v0  }
0x20: {  	[tilespmem:s23+$0x110] =	vst v0  }
0x21: {  	[tilespmem:s23+$0x120] =	vst v0  }
0x22: {  	[tilespmem:s23+$0x130] =	vst v0  }
0x23: {  	[tilespmem:s23+$0x140] =	vst v0  }
0x24: {  	[tilespmem:s23+$0x150] =	vst v0  }
0x25: {  	[tilespmem:s23+$0x160] =	vst v0  }
0x26: {  	[spmem:s8] =	stream.linear.scatter [tilespmem:s19], [sflag:$0x2], $0x2800, $0x38;
	[tilespmem:$0x17980] =	vst v63  }
0x27: {  	_ =	swait.ge [sflag:s20], $0x2800  }
0x28: {  	[sflag:s20] =	ssyncset.done $0x0  }
0x29: {  	[sflag:s20] =	ssyncadd.s32 $0xFFFFD800  }
0x2a: {  	[spmem:s10] =	stream.linear.scatter [tilespmem:s19], [sflag:$0x2], $0x2800, $0x38;
	[tilespmem:$0x17980] =	vst v63  }
0x2b: {  	_ =	swait.ge [sflag:s20], $0x2800  }
0x2c: {  	[sflag:s20] =	ssyncset.done $0x0  }
0x2d: {  	[sflag:s20] =	ssyncadd.s32 $0xFFFFD800  }
0x2e: {  	[spmem:s11] =	stream.linear.scatter [tilespmem:s19], [sflag:$0x2], $0x2800, $0x38;
	[tilespmem:$0x17980] =	vst v63  }
0x2f: {  	_ =	swait.ge [sflag:s20], $0x2800  }
0x30: {  	[sflag:s20] =	ssyncset.done $0x0  }
0x31: {  	[sflag:s20] =	ssyncadd.s32 $0xFFFFD800  }
0x32: {  	[spmem:s12] =	stream.linear.scatter [tilespmem:s19], [sflag:$0x2], $0x2800, $0x38;
	[tilespmem:$0x17980] =	vst v63  }
0x33: {  	_ =	swait.ge [sflag:s20], $0x2800  }
0x34: {  	[sflag:s20] =	ssyncset.done $0x0  }
0x35: {  	[sflag:s20] =	ssyncadd.s32 $0xFFFFD800  }
0x36: {  	[spmem:s13] =	stream.linear.scatter [tilespmem:s19], [sflag:$0x2], $0x2800, $0x38;
	[tilespmem:$0x17980] =	vst v63  }
0x37: {  	_ =	swait.ge [sflag:s20], $0x2800  }
0x38: {  	[sflag:s20] =	ssyncset.done $0x0  }
0x39: {  	[sflag:s20] =	ssyncadd.s32 $0xFFFFD800  }
0x3a: {  	[spmem:s14] =	stream.linear.scatter [tilespmem:s19], [sflag:$0x2], $0x2800, $0x38;
	[tilespmem:$0x17980] =	vst v63  }
0x3b: {  	_ =	swait.ge [sflag:s20], $0x2800  }
0x3c: {  	[sflag:s20] =	ssyncset.done $0x0  }
0x3d: {  	[sflag:s20] =	ssyncadd.s32 $0xFFFFD800  }
0x3e: {  	[spmem:s15] =	stream.linear.scatter [tilespmem:s19], [sflag:$0x2], $0x2800, $0x38;
	[tilespmem:$0x17980] =	vst v63  }
0x3f: {  	_ =	swait.ge [sflag:s20], $0x2800  }
0x40: {  	[sflag:s20] =	ssyncset.done $0x0  }
0x41: {  	s23 =	simm.s32 @!p0 $0x100;
	[sflag:s20] =	ssyncadd.s32 $0xFFFFD800  }
0x42: {  	[spmem:s16] =	stream.linear.scatter @!p0 [tilespmem:s23], [sflag:$0x2], $0x2800, $0x38;
	[tilespmem:$0x17980] =	vst v63  }
0x43: {  	s23 =	simm.s32 @!p0 $0x2  }
0x44: {  	_ =	swait.ge @!p0 [sflag:s23], $0x2800  }
0x45: {  	p2 =	sgt.u32 s5, $0x9C3;
	[sflag:s23] =	ssyncset.done @!p0 $0x0  }
0x46: {  	s24 =	simm.s32 @!p2 $0x0;
	[sflag:s23] =	ssyncadd.s32 @!p0 $0xFFFFD800  }
0x47: {  	s25 =	simm.s32 @!p2 $0x3;
	s23 =	sadd.s32 @!p2 $0x0, s18;
	[bflag:$0x0] =	sbarrier.arrive $0xFFFF  }
0x48: {  	[tilespmem:s24], [sflag:$0x3] =	stream.linear.gather @!p2 [hbm4b:s23+s24], $0x80, $0x38;
	[tilespmem:$0x17980] =	vst v63  }
0x49: {  	_ =	swait.ge @!p2 [sflag:s25], $0x80;
	p2 =	por p2, p2  }
0x4a: {  	[sflag:s25] =	ssyncset.done @!p2 $0x0  }
0x4b: {  	s23 =	sadd.s32 @!p2 $0x0, s17;
	s26 =	simm.s32 @!p2 $0x80;
	[sflag:s25] =	ssyncadd.s32 @!p2 $0xFFFFFF80  }
0x4c: {  	[tilespmem:s26], [sflag:$0x3] =	stream.linear.gather @!p2 [hbm4b:s23+s24], $0x80, $0x38;
	[tilespmem:$0x17980] =	vst v63  }
0x4d: {  	_ =	swait.ge @!p2 [sflag:s25], $0x80  }
0x4e: {  	[sflag:s25] =	ssyncset.done @!p2 $0x0  }
0x4f: {  	s23 =	simm.s32 @!p2 $0x100;
	[sflag:s25] =	ssyncadd.s32 @!p2 $0xFFFFFF80;
	s25 =	simm.s32 @!p2 $0x1  }
0x50: {  	[tilespmem:s23], [sflag:$0x1] =	stream.indirect.gather @!p2 [hbm4b:s1+s26], $0x80, s24, s26, $0xb8;
	[tilespmem:$0x17980] =	vst v63  }
0x51: {  	_ =	swait.ge @!p2 [sflag:s25], $0x4000  }
0x52: {  	[sflag:s25] =	ssyncset.done @!p2 $0x0  }
0x53: {  	s24 =	sadd.s32 $0x20, s5;
	[sflag:s25] =	ssyncadd.s32 @!p2 $0xFFFFC000  }
0x54: {  	[spmem:s2] =	stream.indirect.scatter.add.f32 @!p2 [tilespmem:s23], [sflag:$0x2], $0x80, s26, s26, $0xb8;
	[tilespmem:$0x17980] =	vst v63  }
0x55: {  	p4 =	sgt.u32 s24, $0x9C3;
	s26 =	simm.s32 @!p2 $0x2  }
0x56: {  	s25 =	simm.s32 $0x400;
	s23 =	simm.s32 $0x200;
	_ =	swait.ge @!p2 [sflag:s26], $0x4000  }
.LBB2_4:
0x57: {  	s28 =	sadd.s32 @!p4 s23, s18  }
0x58: {  	s29 =	simm.s32 @!p4 $0x0;
	[sflag:s26] =	ssyncset.done @!p2 $0x0;
	s30 =	smov.u32 s25  }
0x59: {  	s25 =	sadd.s32 $0x200, s25;
	s31 =	simm.s32 @!p4 $0x3;
	[sflag:s26] =	ssyncadd.s32 @!p2 $0xFFFFC000  }
0x5a: {  	[tilespmem:s29], [sflag:$0x3] =	stream.linear.gather @!p4 [hbm4b:s28+s29], $0x80, $0x38;
	[tilespmem:$0x17980] =	vst v63  }
0x5b: {  	p3 =	sne.s32 s25, $0x9E00;
	p2 =	por p4, p4;
	_ =	swait.ge @!p4 [sflag:s31], $0x80  }
0x5c: {  	[sflag:s31] =	ssyncset.done @!p2 $0x0  }
0x5d: {  	s23 =	sadd.s32 @!p2 s23, s17;
	s28 =	simm.s32 @!p2 $0x80;
	[sflag:s31] =	ssyncadd.s32 @!p2 $0xFFFFFF80  }
0x5e: {  	[tilespmem:s28], [sflag:$0x3] =	stream.linear.gather @!p2 [hbm4b:s23+s29], $0x80, $0x38;
	[tilespmem:$0x17980] =	vst v63  }
0x5f: {  	s23 =	smov.u32 s30;
	_ =	swait.ge @!p2 [sflag:s31], $0x80  }
0x60: {  	[sflag:s31] =	ssyncset.done @!p2 $0x0  }
0x61: {  	s26 =	simm.s32 @!p2 $0x1;
	s30 =	simm.s32 @!p2 $0x100;
	[sflag:s31] =	ssyncadd.s32 @!p2 $0xFFFFFF80  }
0x62: {  	[tilespmem:s30], [sflag:$0x1] =	stream.indirect.gather @!p2 [hbm4b:s1+s28], $0x80, s29, s28, $0xb8;
	[tilespmem:$0x17980] =	vst v63  }
.Ltmp1:
0x63: {  	_ =	swait.ge @!p2 [sflag:s26], $0x4000;
	(pc) =	sbr.rel @p3 .LBB2_4-.Ltmp1, $4  }
0x64: {  	[sflag:s26] =	ssyncset.done @!p2 $0x0  }
0x65: {  	s24 =	sadd.s32 $0x20, s24;
	[sflag:s26] =	ssyncadd.s32 @!p2 $0xFFFFC000;
	s26 =	simm.s32 @!p2 $0x2  }
0x66: {  	[spmem:s2] =	stream.indirect.scatter.add.f32 @!p2 [tilespmem:s30], [sflag:$0x2], $0x80, s28, s28, $0xb8;
	[tilespmem:$0x17980] =	vst v63  }
0x67: {  	p4 =	sgt.u32 s24, $0x9C3;
	_ =	swait.ge @!p2 [sflag:s26], $0x4000  }
0x68: {  	s24 =	sadd.s32 @!p4 s23, s18;
	[sflag:s26] =	ssyncset.done @!p2 $0x0  }
0x69: {  	s25 =	simm.s32 @!p4 $0x0;
	s28 =	simm.s32 @!p4 $0x3;
	[sflag:s26] =	ssyncadd.s32 @!p2 $0xFFFFC000  }
0x6a: {  	[tilespmem:s25], [sflag:$0x3] =	stream.linear.gather @!p4 [hbm4b:s24+s25], $0x80, $0x38;
	[tilespmem:$0x17980] =	vst v63  }
0x6b: {  	p2 =	por p4, p4;
	_ =	swait.ge @!p4 [sflag:s28], $0x80  }
0x6c: {  	[sflag:s28] =	ssyncset.done @!p2 $0x0  }
0x6d: {  	s23 =	sadd.s32 @!p2 s23, s17;
	s24 =	simm.s32 @!p2 $0x80;
	[sflag:s28] =	ssyncadd.s32 @!p2 $0xFFFFFF80  }
0x6e: {  	[tilespmem:s24], [sflag:$0x3] =	stream.linear.gather @!p2 [hbm4b:s23+s25], $0x80, $0x38;
	[tilespmem:$0x17980] =	vst v63  }
0x6f: {  	_ =	swait.ge @!p2 [sflag:s28], $0x80  }
0x70: {  	[sflag:s28] =	ssyncset.done @!p2 $0x0  }
0x71: {  	s26 =	simm.s32 @!p2 $0x1;
	s23 =	simm.s32 @!p2 $0x100;
	[sflag:s28] =	ssyncadd.s32 @!p2 $0xFFFFFF80  }
0x72: {  	[tilespmem:s23], [sflag:$0x1] =	stream.indirect.gather @!p2 [hbm4b:s1+s24], $0x80, s25, s24, $0xb8;
	[tilespmem:$0x17980] =	vst v63  }
0x73: {  	_ =	swait.ge @!p2 [sflag:s26], $0x4000  }
0x74: {  	[sflag:s26] =	ssyncset.done @!p2 $0x0  }
0x75: {  	s25 =	simm.s32 @!p2 $0x2;
	[sflag:s26] =	ssyncadd.s32 @!p2 $0xFFFFC000  }
0x76: {  	[spmem:s2] =	stream.indirect.scatter.add.f32 @!p2 [tilespmem:s23], [sflag:$0x2], $0x80, s24, s24, $0xb8;
	[tilespmem:$0x17980] =	vst v63  }
0x77: {  	_ =	swait.ge @!p2 [sflag:s25], $0x4000  }
0x78: {  	[sflag:s25] =	ssyncset.done @!p2 $0x0  }
0x79: {  	s31 =	sshll.u32 s4, $0x6;
	[sflag:s25] =	ssyncadd.s32 @!p2 $0xFFFFC000  }
0x7a: {  	s23 =	sor.u32 $0x1C02, s31;
	[bflag:$0x0] =	sbarrier.arrive $0xFFFF  }
0x7b: {  	[hbm:s6], [sflag:s23] =	dma.local [spmem:s21], $0x2700  }
0x7c: {  	_ =	swait.ge [sflag:s20], $0x2700  }
0x7d: {  	s3 =	sadd.s32 $0x1, s3;
	[sflag:s20] =	ssyncset.done $0x0  }
0x7e: {  	p2 =	sne.s32 s3, s9;
	[sflag:s20] =	ssyncadd.s32 $0xFFFFD900  }
0x7f: {  	[hbm:s7], [sflag:s23] =	dma.local @!p1 [spmem:s22], $0x100  }
.Ltmp2:
0x80: {  	_ = 	snop;
	(pc) =	sbr.rel @p2 .LBB2_1-.Ltmp2, $4  }
0x81: {  	s23 =	simm.s32 @!p1 $0x2  }
0x82: {  	_ =	swait.ge @!p1 [sflag:s23], $0x100  }
0x83: {  	[sflag:s23] =	ssyncset.done @!p1 $0x0  }
0x84: {  	[sflag:s23] =	ssyncadd.s32 @!p1 $0xFFFFFF00  }
0x85: {  	_ =	sfence.sel $0x180000  }
0x86: {  	[bflag:$0x0] =	sbarrier.arrive $0xFFFF  }
0x87: {  	p0 =	sne.s32 s4, $0x0;
	_ =	strace $0x90000047  }
0x88: {  	s0 =	sadd.s32 @!p0 $0x100000, s0;
	[bflag:$0x2] =	sbarrier.arrive $0xFFFF  }
0x89: {  	[sflag:s0] =	ssyncadd.tile.s32 @!p0 $0x1;
	_ =	shalt  }
.Lfunc_end2:
_tile_overlayer_lowered:
.L_overlay_start_2:
0x8a: {  	(tag) =	ssettag $0x2  }
0x8b: {  	s0 =	rddreg [dreg:$0x0];
	s2 =	stileid.u32  }
0x8c: {  	s1 =	rddreg [dreg:$0x1];
	p0 =	sne.s32 s2, $0x0  }
0x8d: {  	s3 =	rddreg [dreg:$0x2];
	[bflag:$0x3] =	sbarrier.arrive $0xFFFF;
	s2 =	simm.s32 @!p0 $0x1C02  }
0x8e: {  	[timem:s3], [sflag:s2] =	dma.local @!p0 [hbm:s0], s1  }
0x8f: {  	s0 =	simm.s32 @!p0 $0x2  }
0x90: {  	_ =	swait.ge @!p0 [sflag:s0], s1  }
0x91: {  	s1 =	ssub.s32 @!p0 $0x0, s1;
	[sflag:s0] =	ssyncset.done @!p0 $0x0  }
0x92: {  	[sflag:s0] =	ssyncadd.s32 @!p0 s1  }
0x93: {  	[bflag:$0x3] =	sbarrier.arrive $0xFFFF  }
0x94: {  	_ =	shalt  }

</sc_bundles>
